<compile_context>
chip_gen: v7x
topology: tpu7x:2x2x1
jax: 0.10.2.dev20260603
libtpu: 0.0.44.dev20260713+nightly
codegen_flags: <defaults>
</compile_context>

<pallas_src>
import functools

import jax
import jax.numpy as jnp
from jax import lax
from jax.experimental import pallas as pl
from jax.experimental.pallas import tpu as pltpu
from jax.experimental.pallas import tpu_sc as plsc

_MIN = -5.0
_MAX = 5.0
_EPS = 1e-06
_BINS = 1001
_D = 1536
_N = 65536

_NC = 2
_NS = 16
_L = 16
_NW = _NC * _NS
_BPW = _N // _NW
_K = 32
_NCHUNK = _BPW // _K
_PROWS = 1024


def _prep_body(table_ref, const_ref, out_ref):
    out_ref[...] = table_ref[...] + const_ref[...]


def _prep_table(table, const_row):
    return pl.pallas_call(
        _prep_body,
        out_shape=jax.ShapeDtypeStruct((_PROWS, _D), jnp.float32),
        grid=(_PROWS // 128,),
        in_specs=[
            pl.BlockSpec((128, _D), lambda i: (i, 0)),
            pl.BlockSpec((1, _D), lambda i: (0, 0)),
        ],
        out_specs=pl.BlockSpec((128, _D), lambda i: (i, 0)),
    )(table, const_row)


@functools.partial(
    pl.kernel,
    out_type=jax.ShapeDtypeStruct((_N, _D), jnp.float32),
    mesh=plsc.VectorSubcoreMesh(core_axis_name="c", subcore_axis_name="s"),
    scratch_types=[
        pltpu.VMEM((_PROWS,), jnp.float32),
        pltpu.VMEM((_BPW,), jnp.float32),
        pltpu.VMEM((_BPW,), jnp.int32),
        pltpu.VMEM((_K, _D), jnp.float32),
        pltpu.VMEM((_K, _D), jnp.float32),
        pltpu.SemaphoreType.DMA,
        pltpu.SemaphoreType.DMA,
        pltpu.SemaphoreType.DMA,
        pltpu.SemaphoreType.DMA,
    ],
    compiler_params=pltpu.CompilerParams(needs_layout_passes=False),
)
def _sc_gather(x_hbm, pos_hbm, table_hbm, out_hbm, pos_v, x_v, idx_v,
               rows0, rows1, g0, g1, w0, w1):
    wid = lax.axis_index("s") * _NC + lax.axis_index("c")
    base = wid * _BPW

    pltpu.sync_copy(pos_hbm, pos_v)
    pltpu.sync_copy(x_hbm.at[pl.ds(base, _BPW)], x_v)

    lo = jnp.float32(_MIN)
    hi = jnp.float32(_MAX - _EPS)

    def dig_body(i, carry):
        off = pl.multiple_of(i * _L, _L)
        xv = x_v[pl.ds(off, _L)]
        xc = jnp.minimum(jnp.maximum(xv, lo), hi)
        f = (xc + jnp.float32(-_MIN)) * jnp.float32((_BINS - 1) / (_MAX - _MIN))
        j = (f + jnp.float32(0.5)).astype(jnp.int32)
        j = jnp.clip(j, 0, _BINS - 1)
        pj = plsc.load_gather(pos_v, [j])
        idx = j + jnp.where(pj <= xc, 1, 0).astype(jnp.int32)
        idx_v[pl.ds(off, _L)] = idx
        return carry

    lax.fori_loop(0, (2 * _K) // _L, dig_body, 0)

    rows = (rows0, rows1)
    gsem = (g0, g1)
    wsem = (w0, w1)

    def start_gather(cb, b):
        pltpu.async_copy(table_hbm.at[idx_v.at[pl.ds(cb, _K)]], rows[b], gsem[b])

    def wait_gather(b):
        pltpu.make_async_copy(
            table_hbm.at[idx_v.at[pl.ds(0, _K)]], rows[b], gsem[b]).wait()

    def start_write(cb, b):
        pltpu.async_copy(rows[b], out_hbm.at[pl.ds(base + cb, _K)], wsem[b])

    def wait_write(b):
        pltpu.make_async_copy(rows[b], out_hbm.at[pl.ds(base, _K)], wsem[b]).wait()

    start_gather(pl.multiple_of(0, _K), 0)
    start_gather(pl.multiple_of(_K, _K), 1)

    lax.fori_loop((2 * _K) // _L, _BPW // _L, dig_body, 0)

    def pair_body(i, carry):
        for b in range(2):
            cb = pl.multiple_of((2 * i + b) * _K, _K)
            wait_gather(b)
            start_write(cb, b)
            wait_write(b)
            start_gather(cb + 2 * _K, b)
        return carry

    lax.fori_loop(0, (_NCHUNK - 2) // 2, pair_body, 0)

    for b in range(2):
        cb = pl.multiple_of((_NCHUNK - 2 + b) * _K, _K)
        wait_gather(b)
        start_write(cb, b)
    wait_write(0)
    wait_write(1)


def kernel(x, pos_embeddings, learnable_constant):
    positions = jnp.linspace(_MIN, _MAX, _BINS).astype(jnp.float32)
    pos_pad = jnp.zeros((_PROWS,), jnp.float32).at[:_BINS].set(positions)
    table_plus = _prep_table(pos_embeddings, learnable_constant.reshape(1, _D))
    return _sc_gather(x, pos_pad, table_plus)

# --- scband reference (transcript-rebuilt; emitter-appended) ---
"""Pipeline reference for scband-positional-encoding1-d-68693706932424 (READ-ONLY COPY).

The authoritative reference and input builder live on the scoring server;
editing this copy changes nothing except your own understanding.
"""

import math
import jax, jax.numpy as jnp
import numpy as np

MIN_VAL = -5.0
MAX_VAL = 5.0
BINS = 1001
EMB_DIM = 1536
EPS = 1e-06
N = 65536


def positionalencoding1d(d_model, length, normalized=False):
    if d_model % 2 != 0:
        raise ValueError('odd dim')
    pe = np.zeros((length, d_model), dtype=np.float32)
    position = np.arange(0.0, length, dtype=np.float32)[:, None]
    div_term = np.exp(np.arange(0.0, d_model, 2, dtype=np.float32) * -(math.log(10000.0) / d_model))
    pe[:, 0::2] = np.sin(position * div_term)
    pe[:, 1::2] = np.cos(position * div_term)
    if normalized:
        pe = pe / np.linalg.norm(pe, axis=-1, keepdims=True)
    return jnp.asarray(pe)


def setup_inputs(seed: int = 0) -> dict:
    key = jax.random.key(seed)
    k1, k2 = jax.random.split(key)
    x = jax.random.normal(k1, (N,), dtype=jnp.float32) * 2.0
    pos_embeddings = positionalencoding1d(EMB_DIM, BINS, normalized=False)
    learnable_constant = 0.02 * jax.random.normal(k2, (EMB_DIM,), dtype=jnp.float32)
    return {"x": x, "pos_embeddings": pos_embeddings, "learnable_constant": learnable_constant}


def reference(x, pos_embeddings, learnable_constant):
    positions = jnp.linspace(MIN_VAL, MAX_VAL, BINS).astype(jnp.float32)
    xc = jnp.clip(x, MIN_VAL, MAX_VAL - EPS)
    # np.digitize(x, bins) == searchsorted(bins, x, side='right') for increasing bins
    idx = jnp.searchsorted(positions, xc, side='right')
    return jnp.take(pos_embeddings, idx, axis=0) + learnable_constant

if __name__ == "__main__":
    import jax
    _d = setup_inputs()
    print(jax.jit(kernel)(*tuple(_d.values())))

</pallas_src>

<mosaic_0001>
#map = affine_map<(d0, d1) -> (0)>
#map1 = affine_map<(d0, d1) -> (0, 0)>
module attributes {stable_mosaic.version = 14 : i64} {
  func.func @_sc_gather(%arg0: i32, %arg1: i32, %arg2: memref<65536xf32, #tpu.memory_space<hbm>>, %arg3: memref<1024xf32, #tpu.memory_space<hbm>>, %arg4: memref<1024x1536xf32, #tpu.memory_space<hbm>>, %arg5: memref<65536x1536xf32, #tpu.memory_space<hbm>>, %arg6: memref<1024xf32, #tpu.memory_space<vmem>>, %arg7: memref<2048xf32, #tpu.memory_space<vmem>>, %arg8: memref<2048xi32, #tpu.memory_space<vmem>>, %arg9: memref<32x1536xf32, #tpu.memory_space<vmem>>, %arg10: memref<32x1536xf32, #tpu.memory_space<vmem>>, %arg11: memref<!tpu.dma_semaphore, #tpu.memory_space<semaphore_mem>>, %arg12: memref<!tpu.dma_semaphore, #tpu.memory_space<semaphore_mem>>, %arg13: memref<!tpu.dma_semaphore, #tpu.memory_space<semaphore_mem>>, %arg14: memref<!tpu.dma_semaphore, #tpu.memory_space<semaphore_mem>>) attributes {dimension_semantics = [#tpu.dimension_semantics<core_parallel>, #tpu.dimension_semantics<subcore_parallel>], iteration_bounds = array<i64: 2, 16>, scalar_prefetch = 0 : i64, scratch_operands = 9 : i64, tpu.core_type = #tpu.core_type<sc_vector_subcore>, window_params = [{transform_indices = #map}, {transform_indices = #map}, {transform_indices = #map1}, {transform_indices = #map1}]} {
    %mul3A = arith.constant 2 : i32
    %mul3A_0 = arith.muli %arg1, %mul3A : i32
    %add3A = arith.addi %mul3A_0, %arg0 : i32
    %mul3A_1 = arith.constant 2048 : i32
    %mul3A_2 = arith.muli %add3A, %mul3A_1 : i32
    "tpu.region"() ({
      %run_scoped3A = tpu.sem_alloc : memref<!tpu.dma_semaphore, #tpu.memory_space<semaphore_mem>>
      tpu.enqueue_dma source(%arg3 : memref<1024xf32, #tpu.memory_space<hbm>>) target(%arg6 : memref<1024xf32, #tpu.memory_space<vmem>>) target_semaphore(%run_scoped3A : memref<!tpu.dma_semaphore, #tpu.memory_space<semaphore_mem>>)
      tpu.wait_dma2 semaphore(%run_scoped3A : memref<!tpu.dma_semaphore, #tpu.memory_space<semaphore_mem>>) src(%arg3 : memref<1024xf32, #tpu.memory_space<hbm>>) dst(%arg6 : memref<1024xf32, #tpu.memory_space<vmem>>)
      tpu.yield
    }) : () -> ()
    "tpu.region"() ({
      %run_scoped3A = tpu.sem_alloc : memref<!tpu.dma_semaphore, #tpu.memory_space<semaphore_mem>>
      %dma_start3A_65 = tpu.memref_slice %arg2[%mul3A_2] : memref<65536xf32, #tpu.memory_space<hbm>> -> memref<2048xf32, #tpu.memory_space<hbm>>
      %dma_start3A_66 = tpu.memref_slice %arg2[%mul3A_2] : memref<65536xf32, #tpu.memory_space<hbm>> -> memref<2048xf32, #tpu.memory_space<hbm>>
      tpu.enqueue_dma source(%dma_start3A_66 : memref<2048xf32, #tpu.memory_space<hbm>>) target(%arg7 : memref<2048xf32, #tpu.memory_space<vmem>>) target_semaphore(%run_scoped3A : memref<!tpu.dma_semaphore, #tpu.memory_space<semaphore_mem>>)
      %dma_wait3A_67 = tpu.memref_slice %arg2[%mul3A_2] : memref<65536xf32, #tpu.memory_space<hbm>> -> memref<2048xf32, #tpu.memory_space<hbm>>
      %dma_wait3A_68 = tpu.memref_slice %arg2[%mul3A_2] : memref<65536xf32, #tpu.memory_space<hbm>> -> memref<2048xf32, #tpu.memory_space<hbm>>
      tpu.wait_dma2 semaphore(%run_scoped3A : memref<!tpu.dma_semaphore, #tpu.memory_space<semaphore_mem>>) src(%dma_wait3A_68 : memref<2048xf32, #tpu.memory_space<hbm>>) dst(%arg7 : memref<2048xf32, #tpu.memory_space<vmem>>)
      tpu.yield
    }) : () -> ()
    %scan3A = arith.constant 0 : i32
    %scan3A_3 = arith.constant -5.000000e+00 : f32
    %scan3A_4 = arith.constant 4.99999905 : f32
    %scan3A_5 = arith.constant 0 : i32
    %scan3A_6 = arith.constant 4 : i32
    %scan3A_7 = arith.addi %scan3A_5, %scan3A_6 : i32
    %scan3A_8 = arith.constant 1 : i32
    scf.for %scan3A_65 = %scan3A_5 to %scan3A_7 step %scan3A_8  : i32 {
      %mul3A_66 = arith.constant 16 : i32
      %mul3A_67 = arith.muli %scan3A_65, %mul3A_66 : i32
      %multiple_of3A_68 = tpu.assume_multiple %mul3A_67, 16 : i32
      %get3A = arith.index_cast %multiple_of3A_68 : i32 to index
      %get3A_69 = tpu.vector_load %arg7[%get3A] {strides = array<i32>} : memref<2048xf32, #tpu.memory_space<vmem>>, vector<16xf32>,
      %max3A = vector.broadcast %scan3A_3 : f32 to vector<16xf32>
      %max3A_70 = arith.maximumf %get3A_69, %max3A : vector<16xf32>
      %min3A = vector.broadcast %scan3A_4 : f32 to vector<16xf32>
      %min3A_71 = arith.minimumf %max3A_70, %min3A : vector<16xf32>
      %add3A_72 = arith.constant 5.000000e+00 : f32
      %add3A_73 = vector.broadcast %add3A_72 : f32 to vector<16xf32>
      %add3A_74 = arith.addf %min3A_71, %add3A_73 : vector<16xf32>
      %mul3A_75 = arith.constant 1.000000e+02 : f32
      %mul3A_76 = vector.broadcast %mul3A_75 : f32 to vector<16xf32>
      %mul3A_77 = arith.mulf %add3A_74, %mul3A_76 : vector<16xf32>
      %add3A_78 = arith.constant 5.000000e-01 : f32
      %add3A_79 = vector.broadcast %add3A_78 : f32 to vector<16xf32>
      %add3A_80 = arith.addf %mul3A_77, %add3A_79 : vector<16xf32>
      %convert_element_type3A = arith.fptosi %add3A_80 : vector<16xf32> to vector<16xi32>
      %jit3A = arith.constant 0 : i32
      %jit3A_81 = arith.constant 1000 : i32
      %max3A_82 = vector.broadcast %jit3A : i32 to vector<16xi32>
      %max3A_83 = arith.maxsi %max3A_82, %convert_element_type3A : vector<16xi32>
      %min3A_84 = vector.broadcast %jit3A_81 : i32 to vector<16xi32>
      %min3A_85 = arith.minsi %min3A_84, %max3A_83 : vector<16xi32>
      %gather3A = tpu.vector_load_idx %arg6[%min3A_85] : memref<1024xf32, #tpu.memory_space<vmem>>[vector<16xi32>], vector<16xf32>,
      %le3A = arith.cmpf ole, %gather3A, %min3A_71 : vector<16xf32>
      %jit3A_86 = arith.constant 1 : i32
      %jit3A_87 = arith.constant 0 : i32
      %broadcast_in_dim3A = vector.broadcast %jit3A_86 : i32 to vector<16xi32>
      %broadcast_in_dim3A_88 = vector.broadcast %jit3A_87 : i32 to vector<16xi32>
      %select_n3A = arith.select %le3A, %broadcast_in_dim3A, %broadcast_in_dim3A_88 : vector<16xi1>, vector<16xi32>
      %add3A_89 = arith.addi %min3A_85, %select_n3A : vector<16xi32>
      %swap3A = arith.index_cast %multiple_of3A_68 : i32 to index
      %swap3A_90 = tpu.vector_load %arg8[%swap3A] {strides = array<i32>} : memref<2048xi32, #tpu.memory_space<vmem>>, vector<16xi32>,
      tpu.vector_store %arg8[%swap3A], %add3A_89 {strides = array<i32>} : memref<2048xi32, #tpu.memory_space<vmem>>, vector<16xi32>,
    }
    %scan3A_9 = arith.constant 4 : i32
    %multiple_of3A = arith.constant 0 : i32
    %multiple_of3A_10 = tpu.assume_multiple %multiple_of3A, 32 : i32
    %dma_start3A = tpu.memref_slice %arg8[%multiple_of3A_10] : memref<2048xi32, #tpu.memory_space<vmem>> -> memref<32xi32, #tpu.memory_space<vmem>>
    %dma_start3A_11 = arith.constant 0 : i32
    %dma_start3A_12 = arith.constant 0 : i32
    %dma_start3A_13 = tpu.memref_slice %arg4[%dma_start3A_11, %dma_start3A_12] : memref<1024x1536xf32, #tpu.memory_space<hbm>> -> memref<1024x1536xf32, #tpu.memory_space<hbm>>
    tpu.enqueue_indirect_dma source(%dma_start3A_13 : memref<1024x1536xf32, #tpu.memory_space<hbm>>) target(%arg9 : memref<32x1536xf32, #tpu.memory_space<vmem>>) offsets(%dma_start3A : memref<32xi32, #tpu.memory_space<vmem>>) semaphore(%arg11 : memref<!tpu.dma_semaphore, #tpu.memory_space<semaphore_mem>>)
    %multiple_of3A_14 = arith.constant 32 : i32
    %multiple_of3A_15 = tpu.assume_multiple %multiple_of3A_14, 32 : i32
    %dma_start3A_16 = tpu.memref_slice %arg8[%multiple_of3A_15] : memref<2048xi32, #tpu.memory_space<vmem>> -> memref<32xi32, #tpu.memory_space<vmem>>
    %dma_start3A_17 = arith.constant 0 : i32
    %dma_start3A_18 = arith.constant 0 : i32
    %dma_start3A_19 = tpu.memref_slice %arg4[%dma_start3A_17, %dma_start3A_18] : memref<1024x1536xf32, #tpu.memory_space<hbm>> -> memref<1024x1536xf32, #tpu.memory_space<hbm>>
    tpu.enqueue_indirect_dma source(%dma_start3A_19 : memref<1024x1536xf32, #tpu.memory_space<hbm>>) target(%arg10 : memref<32x1536xf32, #tpu.memory_space<vmem>>) offsets(%dma_start3A_16 : memref<32xi32, #tpu.memory_space<vmem>>) semaphore(%arg12 : memref<!tpu.dma_semaphore, #tpu.memory_space<semaphore_mem>>)
    %scan3A_20 = arith.constant 0 : i32
    %scan3A_21 = arith.constant -5.000000e+00 : f32
    %scan3A_22 = arith.constant 4.99999905 : f32
    %scan3A_23 = arith.constant 4 : i32
    %scan3A_24 = arith.constant 124 : i32
    %scan3A_25 = arith.addi %scan3A_23, %scan3A_24 : i32
    %scan3A_26 = arith.constant 1 : i32
    scf.for %scan3A_65 = %scan3A_23 to %scan3A_25 step %scan3A_26  : i32 {
      %mul3A_66 = arith.constant 16 : i32
      %mul3A_67 = arith.muli %scan3A_65, %mul3A_66 : i32
      %multiple_of3A_68 = tpu.assume_multiple %mul3A_67, 16 : i32
      %get3A = arith.index_cast %multiple_of3A_68 : i32 to index
      %get3A_69 = tpu.vector_load %arg7[%get3A] {strides = array<i32>} : memref<2048xf32, #tpu.memory_space<vmem>>, vector<16xf32>,
      %max3A = vector.broadcast %scan3A_21 : f32 to vector<16xf32>
      %max3A_70 = arith.maximumf %get3A_69, %max3A : vector<16xf32>
      %min3A = vector.broadcast %scan3A_22 : f32 to vector<16xf32>
      %min3A_71 = arith.minimumf %max3A_70, %min3A : vector<16xf32>
      %add3A_72 = arith.constant 5.000000e+00 : f32
      %add3A_73 = vector.broadcast %add3A_72 : f32 to vector<16xf32>
      %add3A_74 = arith.addf %min3A_71, %add3A_73 : vector<16xf32>
      %mul3A_75 = arith.constant 1.000000e+02 : f32
      %mul3A_76 = vector.broadcast %mul3A_75 : f32 to vector<16xf32>
      %mul3A_77 = arith.mulf %add3A_74, %mul3A_76 : vector<16xf32>
      %add3A_78 = arith.constant 5.000000e-01 : f32
      %add3A_79 = vector.broadcast %add3A_78 : f32 to vector<16xf32>
      %add3A_80 = arith.addf %mul3A_77, %add3A_79 : vector<16xf32>
      %convert_element_type3A = arith.fptosi %add3A_80 : vector<16xf32> to vector<16xi32>
      %jit3A = arith.constant 0 : i32
      %jit3A_81 = arith.constant 1000 : i32
      %max3A_82 = vector.broadcast %jit3A : i32 to vector<16xi32>
      %max3A_83 = arith.maxsi %max3A_82, %convert_element_type3A : vector<16xi32>
      %min3A_84 = vector.broadcast %jit3A_81 : i32 to vector<16xi32>
      %min3A_85 = arith.minsi %min3A_84, %max3A_83 : vector<16xi32>
      %gather3A = tpu.vector_load_idx %arg6[%min3A_85] : memref<1024xf32, #tpu.memory_space<vmem>>[vector<16xi32>], vector<16xf32>,
      %le3A = arith.cmpf ole, %gather3A, %min3A_71 : vector<16xf32>
      %jit3A_86 = arith.constant 1 : i32
      %jit3A_87 = arith.constant 0 : i32
      %broadcast_in_dim3A = vector.broadcast %jit3A_86 : i32 to vector<16xi32>
      %broadcast_in_dim3A_88 = vector.broadcast %jit3A_87 : i32 to vector<16xi32>
      %select_n3A = arith.select %le3A, %broadcast_in_dim3A, %broadcast_in_dim3A_88 : vector<16xi1>, vector<16xi32>
      %add3A_89 = arith.addi %min3A_85, %select_n3A : vector<16xi32>
      %swap3A = arith.index_cast %multiple_of3A_68 : i32 to index
      %swap3A_90 = tpu.vector_load %arg8[%swap3A] {strides = array<i32>} : memref<2048xi32, #tpu.memory_space<vmem>>, vector<16xi32>,
      tpu.vector_store %arg8[%swap3A], %add3A_89 {strides = array<i32>} : memref<2048xi32, #tpu.memory_space<vmem>>, vector<16xi32>,
    }
    %scan3A_27 = arith.constant 124 : i32
    %scan3A_28 = arith.constant 0 : i32
    %scan3A_29 = arith.constant 0 : i32
    %scan3A_30 = arith.constant 31 : i32
    %scan3A_31 = arith.addi %scan3A_29, %scan3A_30 : i32
    %scan3A_32 = arith.constant 1 : i32
    scf.for %scan3A_65 = %scan3A_29 to %scan3A_31 step %scan3A_32  : i32 {
      %mul3A_66 = arith.constant 2 : i32
      %mul3A_67 = arith.muli %mul3A_66, %scan3A_65 : i32
      %add3A_68 = arith.constant 0 : i32
      %add3A_69 = arith.addi %mul3A_67, %add3A_68 : i32
      %mul3A_70 = arith.constant 32 : i32
      %mul3A_71 = arith.muli %add3A_69, %mul3A_70 : i32
      %multiple_of3A_72 = tpu.assume_multiple %mul3A_71, 32 : i32
      %dma_wait3A_73 = arith.constant 0 : i32
      %dma_wait3A_74 = tpu.memref_slice %arg8[%dma_wait3A_73] : memref<2048xi32, #tpu.memory_space<vmem>> -> memref<32xi32, #tpu.memory_space<vmem>>
      %dma_wait3A_75 = arith.constant 0 : i32
      %dma_wait3A_76 = arith.constant 0 : i32
      %dma_wait3A_77 = tpu.memref_slice %arg4[%dma_wait3A_75, %dma_wait3A_76] : memref<1024x1536xf32, #tpu.memory_space<hbm>> -> memref<1024x1536xf32, #tpu.memory_space<hbm>>
      tpu.wait_indirect_dma semaphore(%arg11 : memref<!tpu.dma_semaphore, #tpu.memory_space<semaphore_mem>>) src(%dma_wait3A_77 : memref<1024x1536xf32, #tpu.memory_space<hbm>>) dst(%arg9 : memref<32x1536xf32, #tpu.memory_space<vmem>>)
      %add3A_78 = arith.addi %mul3A_2, %multiple_of3A_72 : i32
      %dma_start3A_79 = arith.constant 0 : i32
      %dma_start3A_80 = tpu.memref_slice %arg5[%add3A_78, %dma_start3A_79] : memref<65536x1536xf32, #tpu.memory_space<hbm>> -> memref<32x1536xf32, #tpu.memory_space<hbm>>
      %dma_start3A_81 = arith.constant 0 : i32
      %dma_start3A_82 = tpu.memref_slice %arg5[%add3A_78, %dma_start3A_81] : memref<65536x1536xf32, #tpu.memory_space<hbm>> -> memref<32x1536xf32, #tpu.memory_space<hbm>>
      tpu.enqueue_dma source(%arg9 : memref<32x1536xf32, #tpu.memory_space<vmem>>) target(%dma_start3A_82 : memref<32x1536xf32, #tpu.memory_space<hbm>>) target_semaphore(%arg13 : memref<!tpu.dma_semaphore, #tpu.memory_space<semaphore_mem>>)
      %dma_wait3A_83 = arith.constant 0 : i32
      %dma_wait3A_84 = tpu.memref_slice %arg5[%mul3A_2, %dma_wait3A_83] : memref<65536x1536xf32, #tpu.memory_space<hbm>> -> memref<32x1536xf32, #tpu.memory_space<hbm>>
      %dma_wait3A_85 = arith.constant 0 : i32
      %dma_wait3A_86 = tpu.memref_slice %arg5[%mul3A_2, %dma_wait3A_85] : memref<65536x1536xf32, #tpu.memory_space<hbm>> -> memref<32x1536xf32, #tpu.memory_space<hbm>>
      tpu.wait_dma2 semaphore(%arg13 : memref<!tpu.dma_semaphore, #tpu.memory_space<semaphore_mem>>) src(%arg9 : memref<32x1536xf32, #tpu.memory_space<vmem>>) dst(%dma_wait3A_86 : memref<32x1536xf32, #tpu.memory_space<hbm>>)
      %add3A_87 = arith.constant 64 : i32
      %add3A_88 = arith.addi %multiple_of3A_72, %add3A_87 : i32
      %dma_start3A_89 = tpu.memref_slice %arg8[%add3A_88] : memref<2048xi32, #tpu.memory_space<vmem>> -> memref<32xi32, #tpu.memory_space<vmem>>
      %dma_start3A_90 = arith.constant 0 : i32
      %dma_start3A_91 = arith.constant 0 : i32
      %dma_start3A_92 = tpu.memref_slice %arg4[%dma_start3A_90, %dma_start3A_91] : memref<1024x1536xf32, #tpu.memory_space<hbm>> -> memref<1024x1536xf32, #tpu.memory_space<hbm>>
      tpu.enqueue_indirect_dma source(%dma_start3A_92 : memref<1024x1536xf32, #tpu.memory_space<hbm>>) target(%arg9 : memref<32x1536xf32, #tpu.memory_space<vmem>>) offsets(%dma_start3A_89 : memref<32xi32, #tpu.memory_space<vmem>>) semaphore(%arg11 : memref<!tpu.dma_semaphore, #tpu.memory_space<semaphore_mem>>)
      %mul3A_93 = arith.constant 2 : i32
      %mul3A_94 = arith.muli %mul3A_93, %scan3A_65 : i32
      %add3A_95 = arith.constant 1 : i32
      %add3A_96 = arith.addi %mul3A_94, %add3A_95 : i32
      %mul3A_97 = arith.constant 32 : i32
      %mul3A_98 = arith.muli %add3A_96, %mul3A_97 : i32
      %multiple_of3A_99 = tpu.assume_multiple %mul3A_98, 32 : i32
      %dma_wait3A_100 = arith.constant 0 : i32
      %dma_wait3A_101 = tpu.memref_slice %arg8[%dma_wait3A_100] : memref<2048xi32, #tpu.memory_space<vmem>> -> memref<32xi32, #tpu.memory_space<vmem>>
      %dma_wait3A_102 = arith.constant 0 : i32
      %dma_wait3A_103 = arith.constant 0 : i32
      %dma_wait3A_104 = tpu.memref_slice %arg4[%dma_wait3A_102, %dma_wait3A_103] : memref<1024x1536xf32, #tpu.memory_space<hbm>> -> memref<1024x1536xf32, #tpu.memory_space<hbm>>
      tpu.wait_indirect_dma semaphore(%arg12 : memref<!tpu.dma_semaphore, #tpu.memory_space<semaphore_mem>>) src(%dma_wait3A_104 : memref<1024x1536xf32, #tpu.memory_space<hbm>>) dst(%arg10 : memref<32x1536xf32, #tpu.memory_space<vmem>>)
      %add3A_105 = arith.addi %mul3A_2, %multiple_of3A_99 : i32
      %dma_start3A_106 = arith.constant 0 : i32
      %dma_start3A_107 = tpu.memref_slice %arg5[%add3A_105, %dma_start3A_106] : memref<65536x1536xf32, #tpu.memory_space<hbm>> -> memref<32x1536xf32, #tpu.memory_space<hbm>>
      %dma_start3A_108 = arith.constant 0 : i32
      %dma_start3A_109 = tpu.memref_slice %arg5[%add3A_105, %dma_start3A_108] : memref<65536x1536xf32, #tpu.memory_space<hbm>> -> memref<32x1536xf32, #tpu.memory_space<hbm>>
      tpu.enqueue_dma source(%arg10 : memref<32x1536xf32, #tpu.memory_space<vmem>>) target(%dma_start3A_109 : memref<32x1536xf32, #tpu.memory_space<hbm>>) target_semaphore(%arg14 : memref<!tpu.dma_semaphore, #tpu.memory_space<semaphore_mem>>)
      %dma_wait3A_110 = arith.constant 0 : i32
      %dma_wait3A_111 = tpu.memref_slice %arg5[%mul3A_2, %dma_wait3A_110] : memref<65536x1536xf32, #tpu.memory_space<hbm>> -> memref<32x1536xf32, #tpu.memory_space<hbm>>
      %dma_wait3A_112 = arith.constant 0 : i32
      %dma_wait3A_113 = tpu.memref_slice %arg5[%mul3A_2, %dma_wait3A_112] : memref<65536x1536xf32, #tpu.memory_space<hbm>> -> memref<32x1536xf32, #tpu.memory_space<hbm>>
      tpu.wait_dma2 semaphore(%arg14 : memref<!tpu.dma_semaphore, #tpu.memory_space<semaphore_mem>>) src(%arg10 : memref<32x1536xf32, #tpu.memory_space<vmem>>) dst(%dma_wait3A_113 : memref<32x1536xf32, #tpu.memory_space<hbm>>)
      %add3A_114 = arith.constant 64 : i32
      %add3A_115 = arith.addi %multiple_of3A_99, %add3A_114 : i32
      %dma_start3A_116 = tpu.memref_slice %arg8[%add3A_115] : memref<2048xi32, #tpu.memory_space<vmem>> -> memref<32xi32, #tpu.memory_space<vmem>>
      %dma_start3A_117 = arith.constant 0 : i32
      %dma_start3A_118 = arith.constant 0 : i32
      %dma_start3A_119 = tpu.memref_slice %arg4[%dma_start3A_117, %dma_start3A_118] : memref<1024x1536xf32, #tpu.memory_space<hbm>> -> memref<1024x1536xf32, #tpu.memory_space<hbm>>
      tpu.enqueue_indirect_dma source(%dma_start3A_119 : memref<1024x1536xf32, #tpu.memory_space<hbm>>) target(%arg10 : memref<32x1536xf32, #tpu.memory_space<vmem>>) offsets(%dma_start3A_116 : memref<32xi32, #tpu.memory_space<vmem>>) semaphore(%arg12 : memref<!tpu.dma_semaphore, #tpu.memory_space<semaphore_mem>>)
    }
    %scan3A_33 = arith.constant 31 : i32
    %multiple_of3A_34 = arith.constant 1984 : i32
    %multiple_of3A_35 = tpu.assume_multiple %multiple_of3A_34, 32 : i32
    %dma_wait3A = arith.constant 0 : i32
    %dma_wait3A_36 = tpu.memref_slice %arg8[%dma_wait3A] : memref<2048xi32, #tpu.memory_space<vmem>> -> memref<32xi32, #tpu.memory_space<vmem>>
    %dma_wait3A_37 = arith.constant 0 : i32
    %dma_wait3A_38 = arith.constant 0 : i32
    %dma_wait3A_39 = tpu.memref_slice %arg4[%dma_wait3A_37, %dma_wait3A_38] : memref<1024x1536xf32, #tpu.memory_space<hbm>> -> memref<1024x1536xf32, #tpu.memory_space<hbm>>
    tpu.wait_indirect_dma semaphore(%arg11 : memref<!tpu.dma_semaphore, #tpu.memory_space<semaphore_mem>>) src(%dma_wait3A_39 : memref<1024x1536xf32, #tpu.memory_space<hbm>>) dst(%arg9 : memref<32x1536xf32, #tpu.memory_space<vmem>>)
    %add3A_40 = arith.addi %mul3A_2, %multiple_of3A_35 : i32
    %dma_start3A_41 = arith.constant 0 : i32
    %dma_start3A_42 = tpu.memref_slice %arg5[%add3A_40, %dma_start3A_41] : memref<65536x1536xf32, #tpu.memory_space<hbm>> -> memref<32x1536xf32, #tpu.memory_space<hbm>>
    %dma_start3A_43 = arith.constant 0 : i32
    %dma_start3A_44 = tpu.memref_slice %arg5[%add3A_40, %dma_start3A_43] : memref<65536x1536xf32, #tpu.memory_space<hbm>> -> memref<32x1536xf32, #tpu.memory_space<hbm>>
    tpu.enqueue_dma source(%arg9 : memref<32x1536xf32, #tpu.memory_space<vmem>>) target(%dma_start3A_44 : memref<32x1536xf32, #tpu.memory_space<hbm>>) target_semaphore(%arg13 : memref<!tpu.dma_semaphore, #tpu.memory_space<semaphore_mem>>)
    %multiple_of3A_45 = arith.constant 2016 : i32
    %multiple_of3A_46 = tpu.assume_multiple %multiple_of3A_45, 32 : i32
    %dma_wait3A_47 = arith.constant 0 : i32
    %dma_wait3A_48 = tpu.memref_slice %arg8[%dma_wait3A_47] : memref<2048xi32, #tpu.memory_space<vmem>> -> memref<32xi32, #tpu.memory_space<vmem>>
    %dma_wait3A_49 = arith.constant 0 : i32
    %dma_wait3A_50 = arith.constant 0 : i32
    %dma_wait3A_51 = tpu.memref_slice %arg4[%dma_wait3A_49, %dma_wait3A_50] : memref<1024x1536xf32, #tpu.memory_space<hbm>> -> memref<1024x1536xf32, #tpu.memory_space<hbm>>
    tpu.wait_indirect_dma semaphore(%arg12 : memref<!tpu.dma_semaphore, #tpu.memory_space<semaphore_mem>>) src(%dma_wait3A_51 : memref<1024x1536xf32, #tpu.memory_space<hbm>>) dst(%arg10 : memref<32x1536xf32, #tpu.memory_space<vmem>>)
    %add3A_52 = arith.addi %mul3A_2, %multiple_of3A_46 : i32
    %dma_start3A_53 = arith.constant 0 : i32
    %dma_start3A_54 = tpu.memref_slice %arg5[%add3A_52, %dma_start3A_53] : memref<65536x1536xf32, #tpu.memory_space<hbm>> -> memref<32x1536xf32, #tpu.memory_space<hbm>>
    %dma_start3A_55 = arith.constant 0 : i32
    %dma_start3A_56 = tpu.memref_slice %arg5[%add3A_52, %dma_start3A_55] : memref<65536x1536xf32, #tpu.memory_space<hbm>> -> memref<32x1536xf32, #tpu.memory_space<hbm>>
    tpu.enqueue_dma source(%arg10 : memref<32x1536xf32, #tpu.memory_space<vmem>>) target(%dma_start3A_56 : memref<32x1536xf32, #tpu.memory_space<hbm>>) target_semaphore(%arg14 : memref<!tpu.dma_semaphore, #tpu.memory_space<semaphore_mem>>)
    %dma_wait3A_57 = arith.constant 0 : i32
    %dma_wait3A_58 = tpu.memref_slice %arg5[%mul3A_2, %dma_wait3A_57] : memref<65536x1536xf32, #tpu.memory_space<hbm>> -> memref<32x1536xf32, #tpu.memory_space<hbm>>
    %dma_wait3A_59 = arith.constant 0 : i32
    %dma_wait3A_60 = tpu.memref_slice %arg5[%mul3A_2, %dma_wait3A_59] : memref<65536x1536xf32, #tpu.memory_space<hbm>> -> memref<32x1536xf32, #tpu.memory_space<hbm>>
    tpu.wait_dma2 semaphore(%arg13 : memref<!tpu.dma_semaphore, #tpu.memory_space<semaphore_mem>>) src(%arg9 : memref<32x1536xf32, #tpu.memory_space<vmem>>) dst(%dma_wait3A_60 : memref<32x1536xf32, #tpu.memory_space<hbm>>)
    %dma_wait3A_61 = arith.constant 0 : i32
    %dma_wait3A_62 = tpu.memref_slice %arg5[%mul3A_2, %dma_wait3A_61] : memref<65536x1536xf32, #tpu.memory_space<hbm>> -> memref<32x1536xf32, #tpu.memory_space<hbm>>
    %dma_wait3A_63 = arith.constant 0 : i32
    %dma_wait3A_64 = tpu.memref_slice %arg5[%mul3A_2, %dma_wait3A_63] : memref<65536x1536xf32, #tpu.memory_space<hbm>> -> memref<32x1536xf32, #tpu.memory_space<hbm>>
    tpu.wait_dma2 semaphore(%arg14 : memref<!tpu.dma_semaphore, #tpu.memory_space<semaphore_mem>>) src(%arg10 : memref<32x1536xf32, #tpu.memory_space<vmem>>) dst(%dma_wait3A_64 : memref<32x1536xf32, #tpu.memory_space<hbm>>)
    return
  }
}

module attributes {stable_mosaic.version = 14 : i64} {
  func.func @_prep_body(%arg0: i32, %arg1: memref<128x1536xf32, #tpu.memory_space<vmem>>, %arg2: memref<1x1536xf32, #tpu.memory_space<vmem>>, %arg3: memref<128x1536xf32, #tpu.memory_space<vmem>>) attributes {dimension_semantics = [#tpu.dimension_semantics<arbitrary>], iteration_bounds = array<i64: 8>, scalar_prefetch = 0 : i64, scratch_operands = 0 : i64, tpu.core_type = #tpu.core_type<tc>, window_params = [{transform_indices = @transform_0, window_bounds = array<i64: 128, 1536>}, {pipeline_mode = #tpu.pipeline_mode<synchronous>, transform_indices = @transform_1, window_bounds = array<i64: 1, 1536>}, {transform_indices = @transform_2, window_bounds = array<i64: 128, 1536>}]} {
    %get3A = arith.constant 0 : index
    %get3A_0 = arith.constant 0 : index
    %get3A_1 = vector.load %arg1[%get3A, %get3A_0] : memref<128x1536xf32, #tpu.memory_space<vmem>>, vector<128x1536xf32>
    %get3A_2 = arith.constant 0 : index
    %get3A_3 = arith.constant 0 : index
    %get3A_4 = vector.load %arg2[%get3A_2, %get3A_3] : memref<1x1536xf32, #tpu.memory_space<vmem>>, vector<1x1536xf32>
    %add3A = vector.broadcast %get3A_4 : vector<1x1536xf32> to vector<128x1536xf32>
    %add3A_5 = arith.addf %get3A_1, %add3A : vector<128x1536xf32>
    %swap3A = arith.constant 0 : index
    %swap3A_6 = arith.constant 0 : index
    %swap3A_7 = vector.load %arg3[%swap3A, %swap3A_6] : memref<128x1536xf32, #tpu.memory_space<vmem>>, vector<128x1536xf32>
    tpu.vector_store %arg3[%swap3A, %swap3A_6], %add3A_5 {strides = array<i32>} : memref<128x1536xf32, #tpu.memory_space<vmem>>, vector<128x1536xf32>,
    return
  }
  func.func @transform_0(%arg0: i32) -> (i32, i32) {
    %c0_i32 = arith.constant 0 : i32
    %c0_i32_0 = arith.constant 0 : i32
    return %arg0, %c0_i32 : i32, i32
  }
  func.func @transform_1(%arg0: i32) -> (i32, i32) {
    %c0_i32 = arith.constant 0 : i32
    %c0_i32_0 = arith.constant 0 : i32
    %c0_i32_1 = arith.constant 0 : i32
    return %c0_i32, %c0_i32_0 : i32, i32
  }
  func.func @transform_2(%arg0: i32) -> (i32, i32) {
    %c0_i32 = arith.constant 0 : i32
    %c0_i32_0 = arith.constant 0 : i32
    return %arg0, %c0_i32 : i32, i32
  }
}

</mosaic_0001>

<sc_bundles>
// kernel: kernel.4.cloned.1.call-start
scs
__scs_entry_jumppad:
0x0: {  	(pc) =	sbr.rel $0x88, $3  }
0x1: {  	(tag) =	ssettag $0x0;
	lr =	simm.s32 $0x1  }
0x2: {  	[smem:$0x3F9E] =	sst lr;
	_ =	strace $0xD0000000  }
0x3: {  	_ = 	snop  }
0x4: {  	_ = 	snop  }
0x5: {  	_ = 	snop  }
0x6: {  	_ = 	snop  }
0x7: {  	_ = 	snop  }
__scs_overlays_trampoline_lowered:
0x8: {  	[smem:$0x3FAD] =	sst s0  }
0x9: {  	[smem:$0x3FAE] =	sst s1  }
0xa: {  	[smem:$0x3FAF] =	sst s2  }
0xb: {  	[smem:$0x3FB0] =	sst s3  }
0xc: {  	[smem:$0x3FB1] =	sst s4  }
0xd: {  	[smem:$0x3FB2] =	sst s5  }
0xe: {  	[smem:$0x3FB3] =	sst s6  }
0xf: {  	[smem:$0x3FB4] =	sst s7  }
0x10: {  	[smem:$0x3FB5] =	sst s8  }
0x11: {  	[smem:$0x3FB6] =	sst s9;
	s0 =	simm.s32 @!p0 $0x0  }
0x12: {  	s1 =	sld [smem:$0x3F9C];
	s0 =	simm.s32 @p0 $0x1  }
0x13: {  	[smem:$0x3FB7] =	sst s0;
	s0 =	simm.s32 @!p1 $0x0  }
0x14: {  	s2 =	sld [smem:$0x3F9B];
	s0 =	simm.s32 @p1 $0x1  }
0x15: {  	[smem:$0x3FB8] =	sst s0;
	s0 =	simm.s32 @!p2 $0x0  }
0x16: {  	s3 =	sld [smem:$0x3FDB];
	s0 =	simm.s32 @p2 $0x1  }
0x17: {  	s4 =	simm.s32 $0x1BF5;
	[smem:$0x3FBA] =	sst s0  }
0x18: {  	s0 =	sld [smem:$0x3F9D];
	_ =	swait.ge [sflag:s4], $0x0  }
0x19: {  	s7 =	sld [smem:$0x3F9E]  }
0x1a: {  	s8 =	sadd.s32 $0xFFFFE003, lr  }
0x1b: {  	s9 =	sadd.s32 $0xFFFFFEF7, lr;
	s5 =	simm.s32 $0xFFFFFFFF;
	p2 =	slt.u32 s8, $0xFFFFF086  }
0x1c: {  	p1 =	slt.u32 s9, $0xF7A;
	s5 =	simm.s32 @!p2 $0x0  }
0x1d: {  	s5 =	simm.s32 @p1 $0x1;
	p0 =	seq.s32 s7, s2  }
0x1e: {  	s7 =	smul.u32 @!p0 $0xF7A, s2;
	p2 =	seq.s32 @!p0 s5, $0x0  }
0x1f: {  	s9 =	smul.u32 $0xF7A, s1;
	s8 =	simm.s32 @!p0 $0x1BF5;
	p2 =	por !p2, p0  }
0x20: {  	[sflag:s8] =	ssyncset.s32 @!p0 $0xFFFFF086;
	s6 =	sadd.s32 @!p0 s3, s7;
	s7 =	simm.s32 @!p0 $0x108  }
0x21: {  	s3 =	sadd.s32 s3, s9;
	s6 =	sadd.s32 @!p0 $0x88, s6;
	s7 =	simm.s32 @p2 $0x1082  }
0x22: {  	[simem:s7], [sflag:s8] =	dma.local @!p0 [hbm:s6], $0xF7A  }
0x23: {  	s9 =	sor.u32 $0xD0000000, s2;
	s6 =	simm.s32 $0x108;
	_ =	swait.ge @!p0 [sflag:s8], $0x0  }
0x24: {  	s3 =	sadd.s32 $0x88, s3;
	s6 =	simm.s32 @!p1 $0x1082;
	[sflag:s4] =	ssyncset.s32 $0xFFFFF086  }
0x25: {  	[simem:s6], [sflag:s4] =	dma.local [hbm:s3], $0xF7A  }
0x26: {  	[smem:$0x3F9E] =	sst s1;
	(tag) =	ssettag s2;
	_ =	strace s9  }
0x27: {  	s1 =	sld [smem:$0x3FAE]  }
0x28: {  	s2 =	sld [smem:$0x3FAF]  }
0x29: {  	s4 =	sld [smem:$0x3FB1]  }
0x2a: {  	p0 =	seq.s32 s5, $0x0;
	s5 =	sld [smem:$0x3FB2]  }
0x2b: {  	s6 =	sld [smem:$0x3FB3]  }
0x2c: {  	s7 =	sld [smem:$0x3FB4]  }
0x2d: {  	s3 =	simm.s32 $0x108;
	s8 =	sld [smem:$0x3FB5]  }
0x2e: {  	s3 =	simm.s32 @!p0 $0x1082;
	s9 =	sld [smem:$0x3FB6]  }
0x2f: {  	lr =	sadd.s32 s0, s3;
	s0 =	sld [smem:$0x3FAD]  }
0x30: {  	s3 =	sld [smem:$0x3FB0]  }
0x31: {  	[smem:$0x3FB9] =	sst s10  }
0x32: {  	s10 =	sld [smem:$0x3FB7];
	_ =	sdelay $0x3  }
0x33: {  	p0 =	seq.s32 s10, $0x1;
	s10 =	sld [smem:$0x3FB9];
	_ =	sdelay $0x3  }
0x34: {  	[smem:$0x3FB9] =	sst s10  }
0x35: {  	s10 =	sld [smem:$0x3FB8];
	_ =	sdelay $0x3  }
0x36: {  	p1 =	seq.s32 s10, $0x1;
	s10 =	sld [smem:$0x3FB9];
	_ =	sdelay $0x3  }
0x37: {  	[smem:$0x3FB9] =	sst s10  }
0x38: {  	s10 =	sld [smem:$0x3FBA]  }
0x39: {  	_ = 	snop;
	(pc) =	sbr.ind lr, $3  }
0x3a: {  	_ = 	snop  }
0x3b: {  	_ = 	snop  }
0x3c: {  	p2 =	seq.s32 s10, $0x1;
	s10 =	sld [smem:$0x3FB9]  }
0x3d: {  	_ =	shalt  }
0x3e: {  	_ =	shalt  }
0x3f: {  	_ =	shalt  }
0x40: {  	_ =	shalt  }
0x41: {  	_ =	shalt  }
0x42: {  	_ =	shalt  }
0x43: {  	_ =	shalt  }
0x44: {  	_ =	shalt  }
0x45: {  	_ =	shalt  }
0x46: {  	_ =	shalt  }
0x47: {  	_ =	shalt  }
0x48: {  	_ =	shalt  }
0x49: {  	_ =	shalt  }
0x4a: {  	_ =	shalt  }
0x4b: {  	_ =	shalt  }
0x4c: {  	_ =	shalt  }
0x4d: {  	_ =	shalt  }
0x4e: {  	_ =	shalt  }
0x4f: {  	_ =	shalt  }
0x50: {  	_ =	shalt  }
0x51: {  	_ =	shalt  }
0x52: {  	_ =	shalt  }
0x53: {  	_ =	shalt  }
0x54: {  	_ =	shalt  }
0x55: {  	_ =	shalt  }
0x56: {  	_ =	shalt  }
0x57: {  	_ =	shalt  }
0x58: {  	_ =	shalt  }
0x59: {  	_ =	shalt  }
0x5a: {  	_ =	shalt  }
0x5b: {  	_ =	shalt  }
0x5c: {  	_ =	shalt  }
0x5d: {  	_ =	shalt  }
0x5e: {  	_ =	shalt  }
0x5f: {  	_ =	shalt  }
0x60: {  	_ =	shalt  }
0x61: {  	_ =	shalt  }
0x62: {  	_ =	shalt  }
0x63: {  	_ =	shalt  }
0x64: {  	_ =	shalt  }
0x65: {  	_ =	shalt  }
0x66: {  	_ =	shalt  }
0x67: {  	_ =	shalt  }
0x68: {  	_ =	shalt  }
0x69: {  	_ =	shalt  }
0x6a: {  	_ =	shalt  }
0x6b: {  	_ =	shalt  }
0x6c: {  	_ =	shalt  }
0x6d: {  	_ =	shalt  }
0x6e: {  	_ =	shalt  }
0x6f: {  	_ =	shalt  }
0x70: {  	_ =	shalt  }
0x71: {  	_ =	shalt  }
0x72: {  	_ =	shalt  }
0x73: {  	_ =	shalt  }
0x74: {  	_ =	shalt  }
0x75: {  	_ =	shalt  }
0x76: {  	_ =	shalt  }
0x77: {  	_ =	shalt  }
0x78: {  	_ =	shalt  }
0x79: {  	_ =	shalt  }
0x7a: {  	_ =	shalt  }
0x7b: {  	_ =	shalt  }
0x7c: {  	_ =	shalt  }
0x7d: {  	_ =	shalt  }
0x7e: {  	_ =	shalt  }
0x7f: {  	_ =	shalt  }
0x80: {  	_ =	shalt  }
0x81: {  	_ =	shalt  }
0x82: {  	_ =	shalt  }
0x83: {  	_ =	shalt  }
0x84: {  	_ =	shalt  }
0x85: {  	_ =	shalt  }
0x86: {  	_ =	shalt  }
0x87: {  	_ =	shalt  }
.Lfunc_end0:
.L_simem_size_0:
called_computation_lowered:
.L_overlay_start_0:
0x88: {  	s2 =	sld [smem:$0x3FD9]  }
0x89: {  	s3 =	sld [smem:$0x3FFE];
	_ =	sdelay $0x1  }
0x8a: {  	s1 =	srdreg.scid  }
0x8b: {  	s0 =	sand.u32 $0x1, s1  }
0x8c: {  	s17 =	sshll.u32 s0, $0xA;
	s2 =	sadd.s32 s3, s2  }
0x8d: {  	s2 =	sadd.s32 s2, s17  }
0x8e: {  	[smem:$0x3FC5] =	sst s2  }
0x8f: {  	_ = 	snop  }
0x90: {  	s2 =	sld [smem:$0x3FC9]  }
0x91: {  	s18 =	sld [smem:$0x3FD0];
	(tm) =	ssettm $0x1  }
0x92: {  	s4 =	sld [smem:$0x3FFB];
	_ =	sdelay $0x3  }
0x93: {  	_ =	strace s4  }
0x94: {  	s4 =	sld [smem:$0x3FFC];
	_ =	sdelay $0x3  }
0x95: {  	_ =	strace s4  }
0x96: {  	s4 =	sld [smem:$0x3FFD];
	_ =	sdelay $0x3  }
0x97: {  	_ =	strace s4  }
0x98: {  	_ =	strace $0x8FFFFFFF  }
0x99: {  	s19 =	sld [smem:$0x3FDB];
	_ =	sdelay $0x1  }
0x9a: {  	s5 =	simm.s32 $_scs_section_size  }
0x9b: {  	s6 =	simm.s32 $_size__tile_overlayer_lowered;
	s7 =	simm.s32 $_tile_overlayer_lowered  }
0x9c: {  	s22 =	simm.s32 $0x1BFF;
	s21 =	sshll.u32 s7, $0x1;
	s4 =	sadd.s32 s5, s19  }
0x9d: {  	s8 =	simm.s32 $0x0;
	s20 =	sshll.u32 s6, $0x1;
	s6 =	sadd.s32 s21, s4  }
0x9e: {  	[timem:s8], [sflag:s22] =	dma.local [hbm:s6], s20  }
0x9f: {  	_ =	swait.ge [sflag:s22], s20  }
0xa0: {  	s5 =	ssub.s32 $0x0, s20;
	[sflag:s22] =	ssyncset.done $0x0  }
0xa1: {  	[sflag:s22] =	ssyncadd.s32 s5;
	_ =	sdelay $0x1  }
0xa2: {  	s23 =	simm.s32 $0x1B8B  }
0xa3: {  	_ =	swait.ge [sflag:s23], $0x1  }
0xa4: {  	[sflag:s23] =	ssyncset.done $0x0  }
0xa5: {  	s25 =	simm.s32 $0x1B8E;
	s24 =	sld [smem:$0x3FFE];
	[sflag:s23] =	ssyncadd.s32 $0xFFFFFFFF  }
0xa6: {  	s26 =	simm.s32 $execute0_lowered;
	[smem:$0x3FD2] =	sst s25  }
0xa7: {  	s6 =	sshll.u32 s26, $0x1;
	_ =	strace $0x80000046;
	[dreg:$0x1] =	wrdreg $0xFFFFFFFF  }
0xa8: {  	s28 =	simm.s32 $_size_execute0_lowered;
	s4 =	sadd.s32 s4, s6;
	[dreg:$0x0] =	wrdreg $0x0  }
0xa9: {  	s6 =	sshll.u32 s28, $0x1;
	[dreg:$0x2] =	wrdreg s4  }
0xaa: {  	[dreg:$0x3] =	wrdreg s6  }
0xab: {  	[dreg:$0x4] =	wrdreg $0xC0  }
0xac: {  	_ =	task [dreg:s8], $0x5FFFF  }
0xad: {  	[dreg:$0x1] =	wrdreg $0xFFFFFFFF  }
0xae: {  	[dreg:$0x0] =	wrdreg $0x60  }
0xaf: {  	[dreg:$0x2] =	wrdreg s2  }
0xb0: {  	[dreg:$0x3] =	wrdreg s24  }
0xb1: {  	[dreg:$0x4] =	wrdreg s18  }
0xb2: {  	[dreg:$0x5] =	wrdreg $0x9  }
0xb3: {  	_ =	task.clear_ibuf [dreg:s8], $0x6FFFF;
	_ =	strace $0x90000046  }
0xb4: {  	s29 =	simm.s32 $0x9;
	_ =	strace $0x80000048  }
0xb5: {  	_ =	swait.ge [sflag:s29], $0x1  }
0xb6: {  	[sflag:s29] =	ssyncadd.s32 $0xFFFFFFFF  }
0xb7: {  	_ =	strace $0x90000048  }
0xb8: {  	_ =	sfence  }
0xb9: {  	s30 =	sld [smem:$0x0];
	_ =	sdelay $0x2  }
0xba: {  	s31 =	sshll.u32 s1, $0xD;
	s1 =	sshrl.u32 s1, $0x2  }
0xbb: {  	s3 =	sand.u32 $0x4000, s31;
	s1 =	sadd.s32 s1, s30  }
0xbc: {  	s0 =	sor.u32 s3, s0;
	s1 =	sshll.u32 s1, $0x11  }
0xbd: {  	s0 =	sor.u32 s1, s0  }
0xbe: {  	s0 =	sadd.s32 $0x8F2B, s0  }
0xbf: {  	[sflag:s0] =	ssyncadd.remote.s32 $0x1  }
0xc0: {  	_ =	sfence.sel $0xFFFF  }
0xc1: {  	[dreg:$0x0] =	wrdreg $0xFFFFFFFF;
	(pc) =	sbr.abs _section_cstart, $3  }
0xc2: {  	[dreg:$0x1] =	wrdreg $0xFFFFFFFF  }
0xc3: {  	_ =	task.clear_ibuf [dreg:s8], $0x2FFFF;
	_ =	strace $0x9FFFFFFF  }
0xc4: {  	(tm) =	ssettm $0x7FFFFFFF  }
0xc5: {  	_ =	shalt  }
tec
execute0_lowered:
.L_overlay_start_1:
0x0: {  	(tag) =	ssettag $0x1  }
0x1: {  	s0 =	rddreg [dreg:$0x0]  }
0x2: {  	s1 =	rddreg [dreg:$0x1]  }
0x3: {  	s3 =	rddreg [dreg:$0x2]  }
0x4: {  	s4 =	srdreg.scid;
	s2 =	simm.s32 $0x0;
	s5 =	stileid.u32  }
0x5: {  	s16 =	simm.s32 $0x1400;
	s30 =	simm.s32 $0x3C00;
	s31 =	simm.s32 $0x4400  }
0x6: {  	s15 =	simm.s32 $0x5C00;
	s12 =	simm.s32 $0x7C00;
	s13 =	simm.s32 $0x8400  }
0x7: {  	s14 =	simm.s32 $0x8C00;
	s18 =	simm.s32 $0x9400;
	s17 =	simm.s32 $0x9C00  }
0x8: {  	s19 =	simm.s32 $0xA400;
	s29 =	simm.s32 $0xB400;
	s28 =	simm.s32 $0xBC00  }
0x9: {  	s4 =	sand.u32 $0x1, s4;
	[smem:$0x7FF] =	sst s2;
	s5 =	sshll.u32 s5, $0xC  }
0xa: {  	s21 =	sadd.s32 $0x800, s1;
	s8 =	sadd.s32 $0xD00, s1;
	s6 =	sshll.u32 s4, $0xB  }
0xb: {  	_ =	strace $0x80000047;
	s7 =	ssub.s32 $0x2, s4;
	[dreg:$0x5] =	wrdreg s21  }
0xc: {  	s4 =	sadd.s32 $0xA00, s1;
	s21 =	simm.s32 $0xC400;
	s20 =	sor.u32 s6, s5  }
0xd: {  	s22 =	sshrl.u32 s7, $0x1;
	s6 =	sadd.s32 $0xB00, s1;
	s9 =	sshrl.u32 s20, $0x3  }
0xe: {  	s5 =	ssub.s32 s7, s22;
	s7 =	sadd.s32 $0xC00, s1;
	s20 =	simm.s32 $0xAC00  }
0xf: {  	s22 =	simm.s32 $0xCC00;
	s10 =	smul.u32 $0x3000, s9;
	s0 =	sadd.s32 s0, s9  }
0x10: {  	s11 =	smul.u32 $0x600, s9;
	s26 =	smax.u32 s5, $0x1;
	[dreg:$0x6] =	wrdreg s0  }
0x11: {  	s9 =	sadd.s32 $0xE00, s1;
	s5 =	simm.s32 $0x6C00;
	[dreg:$0x9] =	wrdreg s26  }
0x12: {  	s26 =	simm.s32 $0xD400;
	s23 =	sshrl.u32 s10, $0x3;
	s10 =	sadd.s32 $0xF00, s1  }
0x13: {  	s25 =	sadd.s32 s11, s3;
	s1 =	simm.s32 $0x5400;
	s0 =	sadd.s32 s3, s23  }
0x14: {  	v3 =	vlaneseq.u32;
	s11 =	simm.s32 $0x7400;
	[dreg:$0x4] =	wrdreg s25;
	s24 =	sadd.s32 $0x5D000, s0  }
0x15: {  	vm0 =	vmmov $0xffff;
	v0 =	vimm.s32 $0x0;
	v2 =	vshrl.u32 v3, $0x3;
	s3 =	simm.s32 $0x6400;
	s0 =	sadd.s32 $0x5E800, s0;
	[dreg:$0x7] =	wrdreg s24  }
0x16: {  	v1 =	vand.u32 $0x7, v3;
	v3 =	vor.u32 $0x8, v3;
	v2 =	vmul.u32 $0x8, v2;
	[dreg:$0x8] =	wrdreg s0;
	s0 =	simm.s32 $0x4C00;
	s24 =	simm.s32 $0x0  }
.LBB2_1:
0x17: {  	[dreg:$0xa] =	wrdreg s24  }
0x18: {  	s23 =	rddreg [dreg:$0x5];
	s24 =	simm.s32 $0x5  }
0x19: {  	[tilespmem:s2], [sflag:$0x5] =	stream.linear.gather [hbm4b:s23+s2], $0x400, $0x38;
	[tilespmem:$0x19400] =	vst v63  }
0x1a: {  	_ =	swait.ge [sflag:s24], $0x400  }
0x1b: {  	[sflag:s24] =	ssyncset.done $0x0  }
0x1c: {  	s25 =	simm.s32 $0x400;
	s23 =	rddreg [dreg:$0x6];
	[sflag:s24] =	ssyncadd.s32 $0xFFFFFC00  }
0x1d: {  	[tilespmem:s25], [sflag:$0x5] =	stream.linear.gather [hbm4b:s23+s2], $0x800, $0x38;
	[tilespmem:$0x19400] =	vst v63  }
0x1e: {  	_ =	swait.ge [sflag:s24], $0x800  }
0x1f: {  	[sflag:s24] =	ssyncset.done $0x0  }
0x20: {  	[sflag:s24] =	ssyncadd.s32 $0xFFFFF800  }
0x21: {  	v4 =	vld [tilespmem:$0x400];
	_ =	sdelay $0x4  }
0x22: {  	v4 =	vmax.f32 v4, $-5.000000000e+00  }
0x23: {  	v4 =	vmin.f32 v4, $4.999999050e+00  }
0x24: {  	v5 =	vadd.f32 $5.000000000e+00, v4;
	_ =	sdelay $0x1  }
0x25: {  	v6 =	vld [tilespmem:$0x410];
	v5 =	vmul.f32 $1.000000000e+02, v5;
	_ =	sdelay $0x1  }
0x26: {  	v5 =	vadd.f32 $5.000000000e-01, v5;
	_ =	sdelay $0x1  }
0x27: {  	v5 =	vtrunc.f32 v5  }
0x28: {  	v6 =	vmax.f32 v6, $-5.000000000e+00;
	v5 =	vcvt.f32.s32 v5  }
0x29: {  	v6 =	vmin.f32 v6, $4.999999050e+00  }
0x2a: {  	v7 =	vadd.f32 $5.000000000e+00, v6;
	vm1 =	vgt.s32 v5, $0x0  }
0x2b: {  	v5 =	vnsel vm1, $0x0, v5  }
0x2c: {  	v8 =	vld [tilespmem:$0x420];
	v7 =	vmul.f32 $1.000000000e+02, v7;
	v5 =	vmin.u32 v5, $0x3E8;
	_ =	sdelay $0x1  }
0x2d: {  	v7 =	vadd.f32 $5.000000000e-01, v7;
	_ =	sdelay $0x1  }
0x2e: {  	v7 =	vtrunc.f32 v7  }
0x2f: {  	v8 =	vmax.f32 v8, $-5.000000000e+00;
	v7 =	vcvt.f32.s32 v7;
	v9 =	vld.idx.msk [tilespmem:v5+s2+$0x0], $0xffff  }
0x30: {  	v8 =	vmin.f32 v8, $4.999999050e+00  }
0x31: {  	v10 =	vadd.f32 $5.000000000e+00, v8;
	vm1 =	vgt.s32 v7, $0x0  }
0x32: {  	v7 =	vnsel vm1, $0x0, v7  }
0x33: {  	v11 =	vld [tilespmem:$0x430];
	v10 =	vmul.f32 $1.000000000e+02, v10;
	v7 =	vmin.u32 v7, $0x3E8  }
0x34: {  	vm1 =	vle.f32 v9, v4  }
0x35: {  	v9 =	vadd.f32 $5.000000000e-01, v10;
	v4 =	vsel vm1, $0x1, v0  }
0x36: {  	v4 =	vadd.s32 v4, v5  }
0x37: {  	v5 =	vtrunc.f32 v9;
	[tilespmem:$0xC00] =	vst v4  }
0x38: {  	v10 =	vmax.f32 v11, $-5.000000000e+00;
	v5 =	vcvt.f32.s32 v5;
	v9 =	vld.idx.msk [tilespmem:v7+s2+$0x0], $0xffff  }
0x39: {  	v10 =	vmin.f32 v10, $4.999999050e+00  }
0x3a: {  	v11 =	vadd.f32 $5.000000000e+00, v10;
	vm1 =	vgt.s32 v5, $0x0  }
0x3b: {  	v5 =	vnsel vm1, $0x0, v5  }
0x3c: {  	v11 =	vmul.f32 $1.000000000e+02, v11;
	v5 =	vmin.u32 v5, $0x3E8  }
0x3d: {  	vm1 =	vle.f32 v9, v6  }
0x3e: {  	v9 =	vadd.f32 $5.000000000e-01, v11;
	v6 =	vsel vm1, $0x1, v0  }
0x3f: {  	v6 =	vadd.s32 v6, v7  }
0x40: {  	[tilespmem:$0xC10] =	vst v6;
	v6 =	vtrunc.f32 v9  }
0x41: {  	v7 =	vld.idx.msk [tilespmem:v5+s2+$0x0], $0xffff;
	v6 =	vcvt.f32.s32 v6;
	_ =	sdelay $0x1  }
0x42: {  	vm1 =	vgt.s32 v6, $0x0  }
0x43: {  	v6 =	vnsel vm1, $0x0, v6  }
0x44: {  	v6 =	vmin.u32 v6, $0x3E8  }
0x45: {  	vm1 =	vle.f32 v7, v8  }
0x46: {  	v7 =	vsel vm1, $0x1, v0  }
0x47: {  	v5 =	vadd.s32 v7, v5;
	v7 =	vshrl.u32 v4, $0x3  }
0x48: {  	[tilespmem:$0xC20] =	vst v5;
	v5 =	vmul.u32 $0x60, v7  }
0x49: {  	v4 =	vand.u32 $0x7, v4;
	v7 =	vld.idx.msk [tilespmem:v6+s2+$0x0], $0xffff  }
0x4a: {  	v4 =	vor.u32 v4, v5  }
0x4b: {  	v5 =	vperm.xlane v4, v1;
	_ =	sdelay $0x1  }
0x4c: {  	v5 =	vadd.s32 v2, v5  }
0x4d: {  	vm1 =	vle.f32 v7, v10  }
0x4e: {  	v7 =	vsel vm1, $0x1, v0  }
0x4f: {  	v6 =	vadd.s32 v7, v6  }
0x50: {  	[tilespmem:$0xC30] =	vst v6  }
0x51: {  	[tilespmem:s16], [sflag:$0x1] =	stream.indirect_vreg.gather [hbm4b:s4+s2], $0x80, v5, vm0, $0xb8;
	[tilespmem:$0x19400] =	vst v63  }
0x52: {  	s25 =	simm.s32 $0x1C00  }
0x53: {  	[tilespmem:s25], [sflag:$0x1] =	stream.indirect_vreg.gather [hbm4b:s6+s2], $0x80, v5, vm0, $0xb8;
	[tilespmem:$0x19400] =	vst v63  }
0x54: {  	s23 =	simm.s32 $0x2400  }
0x55: {  	[tilespmem:s23], [sflag:$0x1] =	stream.indirect_vreg.gather [hbm4b:s7+s2], $0x80, v5, vm0, $0xb8;
	[tilespmem:$0x19400] =	vst v63  }
0x56: {  	s24 =	simm.s32 $0x2C00;
	v4 =	vperm.xlane v4, v3  }
0x57: {  	[tilespmem:s24], [sflag:$0x1] =	stream.indirect_vreg.gather [hbm4b:s8+s2], $0x80, v5, vm0, $0xb8;
	[tilespmem:$0x19400] =	vst v63  }
0x58: {  	v4 =	vadd.s32 v2, v4;
	s25 =	simm.s32 $0x3400  }
0x59: {  	[tilespmem:s25], [sflag:$0x1] =	stream.indirect_vreg.gather [hbm4b:s9+s2], $0x80, v5, vm0, $0xb8;
	[tilespmem:$0x19400] =	vst v63  }
0x5a: {  	_ = 	snop  }
0x5b: {  	[tilespmem:s30], [sflag:$0x1] =	stream.indirect_vreg.gather [hbm4b:s10+s2], $0x80, v5, vm0, $0xb8;
	[tilespmem:$0x19400] =	vst v63  }
0x5c: {  	_ = 	snop  }
0x5d: {  	[tilespmem:s31], [sflag:$0x1] =	stream.indirect_vreg.gather [hbm4b:s4+s2], $0x80, v4, vm0, $0xb8;
	[tilespmem:$0x19400] =	vst v63  }
0x5e: {  	_ = 	snop  }
0x5f: {  	[tilespmem:s0], [sflag:$0x1] =	stream.indirect_vreg.gather [hbm4b:s6+s2], $0x80, v4, vm0, $0xb8;
	[tilespmem:$0x19400] =	vst v63  }
0x60: {  	_ = 	snop  }
0x61: {  	[tilespmem:s1], [sflag:$0x1] =	stream.indirect_vreg.gather [hbm4b:s7+s2], $0x80, v4, vm0, $0xb8;
	[tilespmem:$0x19400] =	vst v63  }
0x62: {  	_ = 	snop  }
0x63: {  	[tilespmem:s15], [sflag:$0x1] =	stream.indirect_vreg.gather [hbm4b:s8+s2], $0x80, v4, vm0, $0xb8;
	[tilespmem:$0x19400] =	vst v63  }
0x64: {  	_ = 	snop  }
0x65: {  	[tilespmem:s3], [sflag:$0x1] =	stream.indirect_vreg.gather [hbm4b:s9+s2], $0x80, v4, vm0, $0xb8;
	[tilespmem:$0x19400] =	vst v63  }
0x66: {  	_ = 	snop  }
0x67: {  	[tilespmem:s5], [sflag:$0x1] =	stream.indirect_vreg.gather [hbm4b:s10+s2], $0x80, v4, vm0, $0xb8;
	[tilespmem:$0x19400] =	vst v63  }
0x68: {  	v4 =	vld [tilespmem:$0xC10];
	_ =	sdelay $0x4  }
0x69: {  	v5 =	vshrl.u32 v4, $0x3  }
0x6a: {  	v5 =	vmul.u32 $0x60, v5  }
0x6b: {  	v4 =	vand.u32 $0x7, v4  }
0x6c: {  	v4 =	vor.u32 v4, v5  }
0x6d: {  	v5 =	vperm.xlane v4, v1;
	_ =	sdelay $0x1  }
0x6e: {  	v5 =	vadd.s32 v2, v5;
	_ =	sdelay $0x4  }
0x6f: {  	[tilespmem:s11], [sflag:$0x1] =	stream.indirect_vreg.gather [hbm4b:s4+s2], $0x80, v5, vm0, $0xb8;
	[tilespmem:$0x19400] =	vst v63  }
0x70: {  	_ = 	snop  }
0x71: {  	[tilespmem:s12], [sflag:$0x1] =	stream.indirect_vreg.gather [hbm4b:s6+s2], $0x80, v5, vm0, $0xb8;
	[tilespmem:$0x19400] =	vst v63  }
0x72: {  	_ = 	snop  }
0x73: {  	[tilespmem:s13], [sflag:$0x1] =	stream.indirect_vreg.gather [hbm4b:s7+s2], $0x80, v5, vm0, $0xb8;
	[tilespmem:$0x19400] =	vst v63  }
0x74: {  	v4 =	vperm.xlane v4, v3  }
0x75: {  	[tilespmem:s14], [sflag:$0x1] =	stream.indirect_vreg.gather [hbm4b:s8+s2], $0x80, v5, vm0, $0xb8;
	[tilespmem:$0x19400] =	vst v63  }
0x76: {  	v4 =	vadd.s32 v2, v4  }
0x77: {  	[tilespmem:s18], [sflag:$0x1] =	stream.indirect_vreg.gather [hbm4b:s9+s2], $0x80, v5, vm0, $0xb8;
	[tilespmem:$0x19400] =	vst v63  }
0x78: {  	_ = 	snop  }
0x79: {  	[tilespmem:s17], [sflag:$0x1] =	stream.indirect_vreg.gather [hbm4b:s10+s2], $0x80, v5, vm0, $0xb8;
	[tilespmem:$0x19400] =	vst v63  }
0x7a: {  	_ = 	snop  }
0x7b: {  	[tilespmem:s19], [sflag:$0x1] =	stream.indirect_vreg.gather [hbm4b:s4+s2], $0x80, v4, vm0, $0xb8;
	[tilespmem:$0x19400] =	vst v63  }
0x7c: {  	_ = 	snop  }
0x7d: {  	[tilespmem:s20], [sflag:$0x1] =	stream.indirect_vreg.gather [hbm4b:s6+s2], $0x80, v4, vm0, $0xb8;
	[tilespmem:$0x19400] =	vst v63  }
0x7e: {  	_ = 	snop  }
0x7f: {  	[tilespmem:s29], [sflag:$0x1] =	stream.indirect_vreg.gather [hbm4b:s7+s2], $0x80, v4, vm0, $0xb8;
	[tilespmem:$0x19400] =	vst v63  }
0x80: {  	_ = 	snop  }
0x81: {  	[tilespmem:s28], [sflag:$0x1] =	stream.indirect_vreg.gather [hbm4b:s8+s2], $0x80, v4, vm0, $0xb8;
	[tilespmem:$0x19400] =	vst v63  }
0x82: {  	_ = 	snop  }
0x83: {  	[tilespmem:s21], [sflag:$0x1] =	stream.indirect_vreg.gather [hbm4b:s9+s2], $0x80, v4, vm0, $0xb8;
	[tilespmem:$0x19400] =	vst v63  }
0x84: {  	_ = 	snop  }
0x85: {  	[tilespmem:s22], [sflag:$0x1] =	stream.indirect_vreg.gather [hbm4b:s10+s2], $0x80, v4, vm0, $0xb8;
	[tilespmem:$0x19400] =	vst v63  }
0x86: {  	v4 =	vld [tilespmem:$0xC20];
	_ =	sdelay $0x4  }
0x87: {  	v5 =	vshrl.u32 v4, $0x3  }
0x88: {  	v5 =	vmul.u32 $0x60, v5  }
0x89: {  	v4 =	vand.u32 $0x7, v4  }
0x8a: {  	v4 =	vor.u32 v4, v5  }
0x8b: {  	v5 =	vperm.xlane v4, v1;
	_ =	sdelay $0x1  }
0x8c: {  	v5 =	vadd.s32 v2, v5;
	_ =	sdelay $0x4  }
0x8d: {  	[tilespmem:s26], [sflag:$0x2] =	stream.indirect_vreg.gather [hbm4b:s4+s2], $0x80, v5, vm0, $0xb8;
	[tilespmem:$0x19400] =	vst v63  }
0x8e: {  	s30 =	simm.s32 $0xDC00  }
0x8f: {  	[tilespmem:s30], [sflag:$0x2] =	stream.indirect_vreg.gather [hbm4b:s6+s2], $0x80, v5, vm0, $0xb8;
	[tilespmem:$0x19400] =	vst v63  }
0x90: {  	s31 =	simm.s32 $0xE400  }
0x91: {  	[tilespmem:s31], [sflag:$0x2] =	stream.indirect_vreg.gather [hbm4b:s7+s2], $0x80, v5, vm0, $0xb8;
	[tilespmem:$0x19400] =	vst v63  }
0x92: {  	s1 =	simm.s32 $0xEC00;
	v4 =	vperm.xlane v4, v3  }
0x93: {  	[tilespmem:s1], [sflag:$0x2] =	stream.indirect_vreg.gather [hbm4b:s8+s2], $0x80, v5, vm0, $0xb8;
	[tilespmem:$0x19400] =	vst v63  }
0x94: {  	s3 =	simm.s32 $0xF400;
	v4 =	vadd.s32 v2, v4  }
0x95: {  	[tilespmem:s3], [sflag:$0x2] =	stream.indirect_vreg.gather [hbm4b:s9+s2], $0x80, v5, vm0, $0xb8;
	[tilespmem:$0x19400] =	vst v63  }
0x96: {  	s5 =	simm.s32 $0xFC00  }
0x97: {  	[tilespmem:s5], [sflag:$0x2] =	stream.indirect_vreg.gather [hbm4b:s10+s2], $0x80, v5, vm0, $0xb8;
	[tilespmem:$0x19400] =	vst v63  }
0x98: {  	s11 =	simm.s32 $0x10400  }
0x99: {  	[tilespmem:s11], [sflag:$0x2] =	stream.indirect_vreg.gather [hbm4b:s4+s2], $0x80, v4, vm0, $0xb8;
	[tilespmem:$0x19400] =	vst v63  }
0x9a: {  	s12 =	simm.s32 $0x10C00  }
0x9b: {  	[tilespmem:s12], [sflag:$0x2] =	stream.indirect_vreg.gather [hbm4b:s6+s2], $0x80, v4, vm0, $0xb8;
	[tilespmem:$0x19400] =	vst v63  }
0x9c: {  	s13 =	simm.s32 $0x11400  }
0x9d: {  	[tilespmem:s13], [sflag:$0x2] =	stream.indirect_vreg.gather [hbm4b:s7+s2], $0x80, v4, vm0, $0xb8;
	[tilespmem:$0x19400] =	vst v63  }
0x9e: {  	s14 =	simm.s32 $0x11C00  }
0x9f: {  	[tilespmem:s14], [sflag:$0x2] =	stream.indirect_vreg.gather [hbm4b:s8+s2], $0x80, v4, vm0, $0xb8;
	[tilespmem:$0x19400] =	vst v63  }
0xa0: {  	s15 =	simm.s32 $0x12400  }
0xa1: {  	[tilespmem:s15], [sflag:$0x2] =	stream.indirect_vreg.gather [hbm4b:s9+s2], $0x80, v4, vm0, $0xb8;
	[tilespmem:$0x19400] =	vst v63  }
0xa2: {  	s16 =	simm.s32 $0x12C00  }
0xa3: {  	[tilespmem:s16], [sflag:$0x2] =	stream.indirect_vreg.gather [hbm4b:s10+s2], $0x80, v4, vm0, $0xb8;
	[tilespmem:$0x19400] =	vst v63  }
0xa4: {  	v4 =	vld [tilespmem:$0xC30];
	_ =	sdelay $0x4  }
0xa5: {  	v5 =	vshrl.u32 v4, $0x3  }
0xa6: {  	v5 =	vmul.u32 $0x60, v5  }
0xa7: {  	v4 =	vand.u32 $0x7, v4  }
0xa8: {  	v4 =	vor.u32 v4, v5  }
0xa9: {  	v5 =	vperm.xlane v4, v1;
	_ =	sdelay $0x1  }
0xaa: {  	v5 =	vadd.s32 v2, v5;
	_ =	sdelay $0x3  }
0xab: {  	s17 =	simm.s32 $0x13400  }
0xac: {  	[tilespmem:s17], [sflag:$0x2] =	stream.indirect_vreg.gather [hbm4b:s4+s2], $0x80, v5, vm0, $0xb8;
	[tilespmem:$0x19400] =	vst v63  }
0xad: {  	s18 =	simm.s32 $0x13C00  }
0xae: {  	[tilespmem:s18], [sflag:$0x2] =	stream.indirect_vreg.gather [hbm4b:s6+s2], $0x80, v5, vm0, $0xb8;
	[tilespmem:$0x19400] =	vst v63  }
0xaf: {  	s19 =	simm.s32 $0x14400  }
0xb0: {  	[tilespmem:s19], [sflag:$0x2] =	stream.indirect_vreg.gather [hbm4b:s7+s2], $0x80, v5, vm0, $0xb8;
	[tilespmem:$0x19400] =	vst v63  }
0xb1: {  	s20 =	simm.s32 $0x14C00;
	v4 =	vperm.xlane v4, v3  }
0xb2: {  	[tilespmem:s20], [sflag:$0x2] =	stream.indirect_vreg.gather [hbm4b:s8+s2], $0x80, v5, vm0, $0xb8;
	[tilespmem:$0x19400] =	vst v63  }
0xb3: {  	s21 =	simm.s32 $0x15400;
	v4 =	vadd.s32 v2, v4  }
0xb4: {  	[tilespmem:s21], [sflag:$0x2] =	stream.indirect_vreg.gather [hbm4b:s9+s2], $0x80, v5, vm0, $0xb8;
	[tilespmem:$0x19400] =	vst v63  }
0xb5: {  	s22 =	simm.s32 $0x15C00  }
0xb6: {  	[tilespmem:s22], [sflag:$0x2] =	stream.indirect_vreg.gather [hbm4b:s10+s2], $0x80, v5, vm0, $0xb8;
	[tilespmem:$0x19400] =	vst v63  }
0xb7: {  	s23 =	simm.s32 $0x16400  }
0xb8: {  	[tilespmem:s23], [sflag:$0x2] =	stream.indirect_vreg.gather [hbm4b:s4+s2], $0x80, v4, vm0, $0xb8;
	[tilespmem:$0x19400] =	vst v63  }
0xb9: {  	s24 =	simm.s32 $0x16C00  }
0xba: {  	[tilespmem:s24], [sflag:$0x2] =	stream.indirect_vreg.gather [hbm4b:s6+s2], $0x80, v4, vm0, $0xb8;
	[tilespmem:$0x19400] =	vst v63  }
0xbb: {  	s25 =	simm.s32 $0x17400  }
0xbc: {  	[tilespmem:s25], [sflag:$0x2] =	stream.indirect_vreg.gather [hbm4b:s7+s2], $0x80, v4, vm0, $0xb8;
	[tilespmem:$0x19400] =	vst v63  }
0xbd: {  	s26 =	simm.s32 $0x17C00  }
0xbe: {  	[tilespmem:s26], [sflag:$0x2] =	stream.indirect_vreg.gather [hbm4b:s8+s2], $0x80, v4, vm0, $0xb8;
	[tilespmem:$0x19400] =	vst v63  }
0xbf: {  	s30 =	simm.s32 $0x18400  }
0xc0: {  	[tilespmem:s30], [sflag:$0x2] =	stream.indirect_vreg.gather [hbm4b:s9+s2], $0x80, v4, vm0, $0xb8;
	[tilespmem:$0x19400] =	vst v63  }
0xc1: {  	s31 =	simm.s32 $0x18C00;
	s26 =	simm.s32 $0x40  }
0xc2: {  	[tilespmem:s31], [sflag:$0x2] =	stream.indirect_vreg.gather [hbm4b:s10+s2], $0x80, v4, vm0, $0xb8;
	[tilespmem:$0x19400] =	vst v63  }
0xc3: {  	v4 =	vld [tilespmem:s26+$0x400];
	_ =	sdelay $0x4  }
0xc4: {  	v4 =	vmax.f32 v4, $-5.000000000e+00  }
0xc5: {  	v9 =	vmin.f32 v4, $4.999999050e+00  }
0xc6: {  	v4 =	vadd.f32 $5.000000000e+00, v9;
	_ =	sdelay $0x1  }
0xc7: {  	s24 =	simm.s32 $0x50;
	v4 =	vmul.f32 $1.000000000e+02, v4  }
0xc8: {  	v5 =	vld [tilespmem:s24+$0x400]  }
0xc9: {  	v4 =	vadd.f32 $5.000000000e-01, v4;
	_ =	sdelay $0x1  }
0xca: {  	v4 =	vtrunc.f32 v4  }
0xcb: {  	v6 =	vcvt.f32.s32 v4  }
0xcc: {  	v4 =	vmax.f32 v5, $-5.000000000e+00  }
0xcd: {  	v4 =	vmin.f32 v4, $4.999999050e+00;
	vm1 =	vgt.s32 v6, $0x0  }
0xce: {  	v5 =	vadd.f32 $5.000000000e+00, v4;
	v6 =	vnsel vm1, $0x0, v6  }
0xcf: {  	s25 =	simm.s32 $0x60;
	v6 =	vmin.u32 v6, $0x3E8  }
0xd0: {  	v7 =	vld [tilespmem:s25+$0x400];
	v5 =	vmul.f32 $1.000000000e+02, v5;
	_ =	sdelay $0x1  }
0xd1: {  	v5 =	vadd.f32 $5.000000000e-01, v5;
	_ =	sdelay $0x1  }
0xd2: {  	v5 =	vtrunc.f32 v5;
	v10 =	vld.idx.msk [tilespmem:v6+s2+$0x0], $0xffff  }
0xd3: {  	v8 =	vcvt.f32.s32 v5;
	v5 =	vmax.f32 v7, $-5.000000000e+00  }
0xd4: {  	v5 =	vmin.f32 v5, $4.999999050e+00  }
0xd5: {  	vm1 =	vgt.s32 v8, $0x0;
	v11 =	vadd.f32 $5.000000000e+00, v5  }
0xd6: {  	v7 =	vnsel vm1, $0x0, v8  }
0xd7: {  	s29 =	simm.s32 $0x200;
	s28 =	simm.s32 $0x70;
	v7 =	vmin.u32 v7, $0x3E8;
	v8 =	vmul.f32 $1.000000000e+02, v11;
	vm1 =	vle.f32 v10, v9  }
.LBB2_2:
0xd8: {  	p0 =	sne.s32 s29, $0x1FC0;
	v9 =	vld [tilespmem:s28+$0x400];
	v10 =	vsel vm1, $0x1, v0  }
0xd9: {  	v8 =	vadd.f32 $5.000000000e-01, v8;
	v10 =	vadd.s32 v10, v6;
	v6 =	vmov v7  }
0xda: {  	s23 =	simm.s32 $0x0;
	[tilespmem:s26+$0xC00] =	vst v10;
	s26 =	smov.u32 s24;
	s24 =	smov.u32 s25  }
0xdb: {  	s25 =	smov.u32 s28;
	v8 =	vtrunc.f32 v8;
	v10 =	vld.idx.msk [tilespmem:v7+s23+$0x0], $0xffff  }
0xdc: {  	v7 =	vcvt.f32.s32 v8  }
.Ltmp0:
0xdd: {  	v8 =	vmax.f32 v9, $-5.000000000e+00;
	(pc) =	sbr.rel @p0 .LBB2_2-.Ltmp0, $4  }
0xde: {  	v9 =	vmin.f32 v8, $4.999999050e+00;
	vm1 =	vgt.s32 v7, $0x0  }
0xdf: {  	v8 =	vadd.f32 $5.000000000e+00, v9;
	v7 =	vnsel vm1, $0x0, v7  }
0xe0: {  	v7 =	vmin.u32 v7, $0x3E8  }
0xe1: {  	s28 =	sshra.s32 s29, $0x2;
	s29 =	sadd.s32 $0x40, s29;
	vm1 =	vle.f32 v10, v4;
	v4 =	vmovc v5;
	v5 =	vmov v9;
	v8 =	vmul.f32 $1.000000000e+02, v8  }
0xe2: {  	v9 =	vld [tilespmem:s28+$0x400];
	_ =	sdelay $0x1  }
0xe3: {  	v10 =	vsel vm1, $0x1, v0;
	v8 =	vadd.f32 $5.000000000e-01, v8  }
0xe4: {  	v6 =	vadd.s32 v10, v6  }
0xe5: {  	[tilespmem:s26+$0xC00] =	vst v6;
	v59 =	vtrunc.f32 v8  }
0xe6: {  	v60 =	vld.idx.msk [tilespmem:v7+s23+$0x0], $0xffff;
	v6 =	vcvt.f32.s32 v59;
	v9 =	vmax.f32 v9, $-5.000000000e+00  }
0xe7: {  	v9 =	vmin.f32 v9, $4.999999050e+00  }
0xe8: {  	vm1 =	vgt.s32 v6, $0x0;
	v61 =	vadd.f32 $5.000000000e+00, v9  }
0xe9: {  	v6 =	vnsel vm1, $0x0, v6  }
0xea: {  	v6 =	vmin.u32 v6, $0x3E8;
	v10 =	vmul.f32 $1.000000000e+02, v61  }
0xeb: {  	vm1 =	vle.f32 v60, v4  }
0xec: {  	v4 =	vsel vm1, $0x1, v0;
	v62 =	vadd.f32 $5.000000000e-01, v10  }
0xed: {  	v4 =	vadd.s32 v4, v7  }
0xee: {  	[tilespmem:s24+$0xC00] =	vst v4;
	v4 =	vtrunc.f32 v62  }
0xef: {  	v63 =	vld.idx.msk [tilespmem:v6+s23+$0x0], $0xffff;
	v4 =	vcvt.f32.s32 v4;
	_ =	sdelay $0x1  }
0xf0: {  	vm1 =	vgt.s32 v4, $0x0  }
0xf1: {  	v4 =	vnsel vm1, $0x0, v4  }
0xf2: {  	v4 =	vmin.u32 v4, $0x3E8  }
0xf3: {  	vm1 =	vle.f32 v63, v5  }
0xf4: {  	v5 =	vsel vm1, $0x1, v0  }
0xf5: {  	v5 =	vadd.s32 v5, v6  }
0xf6: {  	[tilespmem:s25+$0xC00] =	vst v5  }
0xf7: {  	v5 =	vld.idx.msk [tilespmem:v4+s23+$0x0], $0xffff;
	_ =	sdelay $0x1  }
0xf8: {  	s17 =	simm.s32 $0x1400;
	s14 =	simm.s32 $0x12400;
	s18 =	simm.s32 $0x12C00  }
0xf9: {  	s16 =	simm.s32 $0x13400;
	s19 =	simm.s32 $0x13C00;
	s20 =	simm.s32 $0x14400  }
0xfa: {  	s29 =	simm.s32 $0x14C00;
	s21 =	simm.s32 $0x15C00;
	s22 =	simm.s32 $0x16400  }
0xfb: {  	s30 =	simm.s32 $0x16C00;
	s31 =	simm.s32 $0x17400;
	s0 =	simm.s32 $0x17C00;
	vm1 =	vle.f32 v5, v9  }
0xfc: {  	s1 =	simm.s32 $0x18400;
	s15 =	simm.s32 $0x18C00;
	s3 =	simm.s32 $0x1;
	v5 =	vsel vm1, $0x1, v0  }
0xfd: {  	s5 =	simm.s32 $0x3;
	s11 =	simm.s32 $0x2;
	s12 =	simm.s32 $0x4;
	v4 =	vadd.s32 v5, v4  }
0xfe: {  	s26 =	simm.s32 $0x15400;
	s24 =	simm.s32 $0xC70;
	[tilespmem:s28+$0xC00] =	vst v4;
	s28 =	simm.s32 $0xD400  }
.LBB2_4:
0xff: {  	_ =	swait.ge [sflag:s3], $0xC000  }
0x100: {  	s25 =	rddreg [dreg:$0x4];
	[sflag:s3] =	ssyncset.done $0x0  }
0x101: {  	[sflag:s3] =	ssyncadd.s32 $0xFFFF4000;
	s25 =	sadd.s32 s23, s25  }
0x102: {  	[hbm4b:s25+s2] =	stream.linear.scatter [tilespmem:s17], [sflag:$0x3], $0xC000, $0x38;
	[tilespmem:$0x19400] =	vst v63  }
0x103: {  	_ =	swait.ge [sflag:s5], $0xC000  }
0x104: {  	[sflag:s5] =	ssyncset.done $0x0  }
0x105: {  	[sflag:s5] =	ssyncadd.s32 $0xFFFF4000  }
0x106: {  	v4 =	vld [tilespmem:s24+$0xFFFFFFD0];
	_ =	sdelay $0x4  }
0x107: {  	v5 =	vshrl.u32 v4, $0x3  }
0x108: {  	v5 =	vmul.u32 $0x60, v5  }
0x109: {  	v4 =	vand.u32 $0x7, v4  }
0x10a: {  	v4 =	vor.u32 v4, v5  }
0x10b: {  	v5 =	vperm.xlane v4, v1;
	_ =	sdelay $0x1  }
0x10c: {  	v5 =	vadd.s32 v2, v5;
	_ =	sdelay $0x4  }
0x10d: {  	[tilespmem:s17], [sflag:$0x1] =	stream.indirect_vreg.gather [hbm4b:s4+s2], $0x80, v5, vm0, $0xb8;
	[tilespmem:$0x19400] =	vst v63  }
0x10e: {  	s13 =	simm.s32 $0x1C00  }
0x10f: {  	[tilespmem:s13], [sflag:$0x1] =	stream.indirect_vreg.gather [hbm4b:s6+s2], $0x80, v5, vm0, $0xb8;
	[tilespmem:$0x19400] =	vst v63  }
0x110: {  	s13 =	simm.s32 $0x2400  }
0x111: {  	[tilespmem:s13], [sflag:$0x1] =	stream.indirect_vreg.gather [hbm4b:s7+s2], $0x80, v5, vm0, $0xb8;
	[tilespmem:$0x19400] =	vst v63  }
0x112: {  	v4 =	vperm.xlane v4, v3;
	s13 =	simm.s32 $0x2C00  }
0x113: {  	[tilespmem:s13], [sflag:$0x1] =	stream.indirect_vreg.gather [hbm4b:s8+s2], $0x80, v5, vm0, $0xb8;
	[tilespmem:$0x19400] =	vst v63  }
0x114: {  	v4 =	vadd.s32 v2, v4;
	s13 =	simm.s32 $0x3400  }
0x115: {  	[tilespmem:s13], [sflag:$0x1] =	stream.indirect_vreg.gather [hbm4b:s9+s2], $0x80, v5, vm0, $0xb8;
	[tilespmem:$0x19400] =	vst v63  }
0x116: {  	s13 =	simm.s32 $0x3C00  }
0x117: {  	[tilespmem:s13], [sflag:$0x1] =	stream.indirect_vreg.gather [hbm4b:s10+s2], $0x80, v5, vm0, $0xb8;
	[tilespmem:$0x19400] =	vst v63  }
0x118: {  	s13 =	simm.s32 $0x4400  }
0x119: {  	[tilespmem:s13], [sflag:$0x1] =	stream.indirect_vreg.gather [hbm4b:s4+s2], $0x80, v4, vm0, $0xb8;
	[tilespmem:$0x19400] =	vst v63  }
0x11a: {  	s13 =	simm.s32 $0x4C00  }
0x11b: {  	[tilespmem:s13], [sflag:$0x1] =	stream.indirect_vreg.gather [hbm4b:s6+s2], $0x80, v4, vm0, $0xb8;
	[tilespmem:$0x19400] =	vst v63  }
0x11c: {  	s13 =	simm.s32 $0x5400  }
0x11d: {  	[tilespmem:s13], [sflag:$0x1] =	stream.indirect_vreg.gather [hbm4b:s7+s2], $0x80, v4, vm0, $0xb8;
	[tilespmem:$0x19400] =	vst v63  }
0x11e: {  	s13 =	simm.s32 $0x5C00  }
0x11f: {  	[tilespmem:s13], [sflag:$0x1] =	stream.indirect_vreg.gather [hbm4b:s8+s2], $0x80, v4, vm0, $0xb8;
	[tilespmem:$0x19400] =	vst v63  }
0x120: {  	s13 =	simm.s32 $0x6400  }
0x121: {  	[tilespmem:s13], [sflag:$0x1] =	stream.indirect_vreg.gather [hbm4b:s9+s2], $0x80, v4, vm0, $0xb8;
	[tilespmem:$0x19400] =	vst v63  }
0x122: {  	s13 =	simm.s32 $0x6C00  }
0x123: {  	[tilespmem:s13], [sflag:$0x1] =	stream.indirect_vreg.gather [hbm4b:s10+s2], $0x80, v4, vm0, $0xb8;
	[tilespmem:$0x19400] =	vst v63  }
0x124: {  	v4 =	vld [tilespmem:s24+$0xFFFFFFE0];
	_ =	sdelay $0x4  }
0x125: {  	v5 =	vshrl.u32 v4, $0x3  }
0x126: {  	v5 =	vmul.u32 $0x60, v5  }
0x127: {  	v4 =	vand.u32 $0x7, v4  }
0x128: {  	v4 =	vor.u32 v4, v5  }
0x129: {  	v5 =	vperm.xlane v4, v1;
	_ =	sdelay $0x1  }
0x12a: {  	v5 =	vadd.s32 v2, v5;
	_ =	sdelay $0x3  }
0x12b: {  	s13 =	simm.s32 $0x7400  }
0x12c: {  	[tilespmem:s13], [sflag:$0x1] =	stream.indirect_vreg.gather [hbm4b:s4+s2], $0x80, v5, vm0, $0xb8;
	[tilespmem:$0x19400] =	vst v63  }
0x12d: {  	s13 =	simm.s32 $0x7C00  }
0x12e: {  	[tilespmem:s13], [sflag:$0x1] =	stream.indirect_vreg.gather [hbm4b:s6+s2], $0x80, v5, vm0, $0xb8;
	[tilespmem:$0x19400] =	vst v63  }
0x12f: {  	s13 =	simm.s32 $0x8400  }
0x130: {  	[tilespmem:s13], [sflag:$0x1] =	stream.indirect_vreg.gather [hbm4b:s7+s2], $0x80, v5, vm0, $0xb8;
	[tilespmem:$0x19400] =	vst v63  }
0x131: {  	v4 =	vperm.xlane v4, v3;
	s13 =	simm.s32 $0x8C00  }
0x132: {  	[tilespmem:s13], [sflag:$0x1] =	stream.indirect_vreg.gather [hbm4b:s8+s2], $0x80, v5, vm0, $0xb8;
	[tilespmem:$0x19400] =	vst v63  }
0x133: {  	v4 =	vadd.s32 v2, v4;
	s13 =	simm.s32 $0x9400  }
0x134: {  	[tilespmem:s13], [sflag:$0x1] =	stream.indirect_vreg.gather [hbm4b:s9+s2], $0x80, v5, vm0, $0xb8;
	[tilespmem:$0x19400] =	vst v63  }
0x135: {  	s13 =	simm.s32 $0x9C00  }
0x136: {  	[tilespmem:s13], [sflag:$0x1] =	stream.indirect_vreg.gather [hbm4b:s10+s2], $0x80, v5, vm0, $0xb8;
	[tilespmem:$0x19400] =	vst v63  }
0x137: {  	s13 =	simm.s32 $0xA400  }
0x138: {  	[tilespmem:s13], [sflag:$0x1] =	stream.indirect_vreg.gather [hbm4b:s4+s2], $0x80, v4, vm0, $0xb8;
	[tilespmem:$0x19400] =	vst v63  }
0x139: {  	s13 =	simm.s32 $0xAC00  }
0x13a: {  	[tilespmem:s13], [sflag:$0x1] =	stream.indirect_vreg.gather [hbm4b:s6+s2], $0x80, v4, vm0, $0xb8;
	[tilespmem:$0x19400] =	vst v63  }
0x13b: {  	s13 =	simm.s32 $0xB400  }
0x13c: {  	[tilespmem:s13], [sflag:$0x1] =	stream.indirect_vreg.gather [hbm4b:s7+s2], $0x80, v4, vm0, $0xb8;
	[tilespmem:$0x19400] =	vst v63  }
0x13d: {  	s13 =	simm.s32 $0xBC00  }
0x13e: {  	[tilespmem:s13], [sflag:$0x1] =	stream.indirect_vreg.gather [hbm4b:s8+s2], $0x80, v4, vm0, $0xb8;
	[tilespmem:$0x19400] =	vst v63  }
0x13f: {  	s13 =	simm.s32 $0xC400  }
0x140: {  	[tilespmem:s13], [sflag:$0x1] =	stream.indirect_vreg.gather [hbm4b:s9+s2], $0x80, v4, vm0, $0xb8;
	[tilespmem:$0x19400] =	vst v63  }
0x141: {  	s13 =	simm.s32 $0xCC00  }
0x142: {  	[tilespmem:s13], [sflag:$0x1] =	stream.indirect_vreg.gather [hbm4b:s10+s2], $0x80, v4, vm0, $0xb8;
	[tilespmem:$0x19400] =	vst v63  }
0x143: {  	_ =	swait.ge [sflag:s11], $0xC000  }
0x144: {  	[sflag:s11] =	ssyncset.done $0x0  }
0x145: {  	s25 =	sadd.s32 $0x1800, s25;
	[sflag:s11] =	ssyncadd.s32 $0xFFFF4000  }
0x146: {  	[hbm4b:s25+s2] =	stream.linear.scatter [tilespmem:s28], [sflag:$0x4], $0xC000, $0x38;
	[tilespmem:$0x19400] =	vst v63  }
0x147: {  	_ =	swait.ge [sflag:s12], $0xC000  }
0x148: {  	[sflag:s12] =	ssyncset.done $0x0  }
0x149: {  	[sflag:s12] =	ssyncadd.s32 $0xFFFF4000  }
0x14a: {  	v4 =	vld [tilespmem:s24+$0xFFFFFFF0];
	_ =	sdelay $0x4  }
0x14b: {  	v5 =	vshrl.u32 v4, $0x3  }
0x14c: {  	v5 =	vmul.u32 $0x60, v5  }
0x14d: {  	v4 =	vand.u32 $0x7, v4  }
0x14e: {  	v4 =	vor.u32 v4, v5  }
0x14f: {  	v5 =	vperm.xlane v4, v1;
	_ =	sdelay $0x1  }
0x150: {  	v5 =	vadd.s32 v2, v5;
	_ =	sdelay $0x4  }
0x151: {  	[tilespmem:s28], [sflag:$0x2] =	stream.indirect_vreg.gather [hbm4b:s4+s2], $0x80, v5, vm0, $0xb8;
	[tilespmem:$0x19400] =	vst v63  }
0x152: {  	s25 =	simm.s32 $0xDC00  }
0x153: {  	[tilespmem:s25], [sflag:$0x2] =	stream.indirect_vreg.gather [hbm4b:s6+s2], $0x80, v5, vm0, $0xb8;
	[tilespmem:$0x19400] =	vst v63  }
0x154: {  	s25 =	simm.s32 $0xE400  }
0x155: {  	[tilespmem:s25], [sflag:$0x2] =	stream.indirect_vreg.gather [hbm4b:s7+s2], $0x80, v5, vm0, $0xb8;
	[tilespmem:$0x19400] =	vst v63  }
0x156: {  	v4 =	vperm.xlane v4, v3;
	s25 =	simm.s32 $0xEC00  }
0x157: {  	[tilespmem:s25], [sflag:$0x2] =	stream.indirect_vreg.gather [hbm4b:s8+s2], $0x80, v5, vm0, $0xb8;
	[tilespmem:$0x19400] =	vst v63  }
0x158: {  	v4 =	vadd.s32 v2, v4;
	s25 =	simm.s32 $0xF400  }
0x159: {  	[tilespmem:s25], [sflag:$0x2] =	stream.indirect_vreg.gather [hbm4b:s9+s2], $0x80, v5, vm0, $0xb8;
	[tilespmem:$0x19400] =	vst v63  }
0x15a: {  	s25 =	simm.s32 $0xFC00  }
0x15b: {  	[tilespmem:s25], [sflag:$0x2] =	stream.indirect_vreg.gather [hbm4b:s10+s2], $0x80, v5, vm0, $0xb8;
	[tilespmem:$0x19400] =	vst v63  }
0x15c: {  	s25 =	simm.s32 $0x10400  }
0x15d: {  	[tilespmem:s25], [sflag:$0x2] =	stream.indirect_vreg.gather [hbm4b:s4+s2], $0x80, v4, vm0, $0xb8;
	[tilespmem:$0x19400] =	vst v63  }
0x15e: {  	s25 =	simm.s32 $0x10C00  }
0x15f: {  	[tilespmem:s25], [sflag:$0x2] =	stream.indirect_vreg.gather [hbm4b:s6+s2], $0x80, v4, vm0, $0xb8;
	[tilespmem:$0x19400] =	vst v63  }
0x160: {  	s25 =	simm.s32 $0x11400  }
0x161: {  	[tilespmem:s25], [sflag:$0x2] =	stream.indirect_vreg.gather [hbm4b:s7+s2], $0x80, v4, vm0, $0xb8;
	[tilespmem:$0x19400] =	vst v63  }
0x162: {  	s25 =	simm.s32 $0x11C00  }
0x163: {  	[tilespmem:s25], [sflag:$0x2] =	stream.indirect_vreg.gather [hbm4b:s8+s2], $0x80, v4, vm0, $0xb8;
	[tilespmem:$0x19400] =	vst v63  }
0x164: {  	_ = 	snop  }
0x165: {  	[tilespmem:s14], [sflag:$0x2] =	stream.indirect_vreg.gather [hbm4b:s9+s2], $0x80, v4, vm0, $0xb8;
	[tilespmem:$0x19400] =	vst v63  }
0x166: {  	_ = 	snop  }
0x167: {  	[tilespmem:s18], [sflag:$0x2] =	stream.indirect_vreg.gather [hbm4b:s10+s2], $0x80, v4, vm0, $0xb8;
	[tilespmem:$0x19400] =	vst v63  }
0x168: {  	v4 =	vld [tilespmem:s24+$0x0];
	_ =	sdelay $0x4  }
0x169: {  	v5 =	vshrl.u32 v4, $0x3  }
0x16a: {  	v5 =	vmul.u32 $0x60, v5  }
0x16b: {  	v4 =	vand.u32 $0x7, v4  }
0x16c: {  	v4 =	vor.u32 v4, v5  }
0x16d: {  	v5 =	vperm.xlane v4, v1;
	_ =	sdelay $0x1  }
0x16e: {  	v5 =	vadd.s32 v2, v5;
	_ =	sdelay $0x4  }
0x16f: {  	[tilespmem:s16], [sflag:$0x2] =	stream.indirect_vreg.gather [hbm4b:s4+s2], $0x80, v5, vm0, $0xb8;
	[tilespmem:$0x19400] =	vst v63  }
0x170: {  	_ = 	snop  }
0x171: {  	[tilespmem:s19], [sflag:$0x2] =	stream.indirect_vreg.gather [hbm4b:s6+s2], $0x80, v5, vm0, $0xb8;
	[tilespmem:$0x19400] =	vst v63  }
0x172: {  	_ = 	snop  }
0x173: {  	[tilespmem:s20], [sflag:$0x2] =	stream.indirect_vreg.gather [hbm4b:s7+s2], $0x80, v5, vm0, $0xb8;
	[tilespmem:$0x19400] =	vst v63  }
0x174: {  	v4 =	vperm.xlane v4, v3  }
0x175: {  	[tilespmem:s29], [sflag:$0x2] =	stream.indirect_vreg.gather [hbm4b:s8+s2], $0x80, v5, vm0, $0xb8;
	[tilespmem:$0x19400] =	vst v63  }
0x176: {  	v4 =	vadd.s32 v2, v4  }
0x177: {  	[tilespmem:s26], [sflag:$0x2] =	stream.indirect_vreg.gather [hbm4b:s9+s2], $0x80, v5, vm0, $0xb8;
	[tilespmem:$0x19400] =	vst v63  }
0x178: {  	_ = 	snop  }
0x179: {  	[tilespmem:s21], [sflag:$0x2] =	stream.indirect_vreg.gather [hbm4b:s10+s2], $0x80, v5, vm0, $0xb8;
	[tilespmem:$0x19400] =	vst v63  }
0x17a: {  	_ = 	snop  }
0x17b: {  	[tilespmem:s22], [sflag:$0x2] =	stream.indirect_vreg.gather [hbm4b:s4+s2], $0x80, v4, vm0, $0xb8;
	[tilespmem:$0x19400] =	vst v63  }
0x17c: {  	_ = 	snop  }
0x17d: {  	[tilespmem:s30], [sflag:$0x2] =	stream.indirect_vreg.gather [hbm4b:s6+s2], $0x80, v4, vm0, $0xb8;
	[tilespmem:$0x19400] =	vst v63  }
0x17e: {  	_ = 	snop  }
0x17f: {  	[tilespmem:s31], [sflag:$0x2] =	stream.indirect_vreg.gather [hbm4b:s7+s2], $0x80, v4, vm0, $0xb8;
	[tilespmem:$0x19400] =	vst v63  }
0x180: {  	p0 =	sne.s32 s23, $0x5A000  }
0x181: {  	[tilespmem:s0], [sflag:$0x2] =	stream.indirect_vreg.gather [hbm4b:s8+s2], $0x80, v4, vm0, $0xb8;
	[tilespmem:$0x19400] =	vst v63  }
.Ltmp1:
0x182: {  	_ = 	snop;
	(pc) =	sbr.rel @p0 .LBB2_4-.Ltmp1, $4  }
0x183: {  	_ = 	snop  }
0x184: {  	[tilespmem:s1], [sflag:$0x2] =	stream.indirect_vreg.gather [hbm4b:s9+s2], $0x80, v4, vm0, $0xb8;
	[tilespmem:$0x19400] =	vst v63  }
0x185: {  	s23 =	sadd.s32 $0x3000, s23;
	s24 =	sadd.s32 $0x40, s24  }
0x186: {  	[tilespmem:s15], [sflag:$0x2] =	stream.indirect_vreg.gather [hbm4b:s10+s2], $0x80, v4, vm0, $0xb8;
	[tilespmem:$0x19400] =	vst v63  }
0x187: {  	_ =	swait.ge [sflag:s3], $0xC000  }
0x188: {  	[sflag:s3] =	ssyncset.done $0x0  }
0x189: {  	s23 =	rddreg [dreg:$0x7];
	[sflag:s3] =	ssyncadd.s32 $0xFFFF4000  }
0x18a: {  	[hbm4b:s23+s2] =	stream.linear.scatter [tilespmem:s17], [sflag:$0x3], $0xC000, $0x38;
	[tilespmem:$0x19400] =	vst v63  }
0x18b: {  	_ =	swait.ge [sflag:s11], $0xC000  }
0x18c: {  	[sflag:s11] =	ssyncset.done $0x0  }
0x18d: {  	s25 =	rddreg [dreg:$0x8];
	[sflag:s11] =	ssyncadd.s32 $0xFFFF4000  }
0x18e: {  	[hbm4b:s25+s2] =	stream.linear.scatter [tilespmem:s28], [sflag:$0x4], $0xC000, $0x38;
	[tilespmem:$0x19400] =	vst v63  }
0x18f: {  	_ =	swait.ge [sflag:s5], $0xC000  }
0x190: {  	[sflag:s5] =	ssyncset.done $0x0  }
0x191: {  	s30 =	simm.s32 $0x3C00;
	s31 =	simm.s32 $0x4400;
	[sflag:s5] =	ssyncadd.s32 $0xFFFF4000  }
0x192: {  	s0 =	simm.s32 $0x4C00;
	s1 =	simm.s32 $0x5400;
	_ =	swait.ge [sflag:s12], $0xC000  }
0x193: {  	s15 =	simm.s32 $0x5C00;
	s13 =	simm.s32 $0x8400;
	s24 =	rddreg [dreg:$0xa]  }
0x194: {  	s14 =	simm.s32 $0x8C00;
	s26 =	rddreg [dreg:$0x9];
	s24 =	sadd.s32 $0x1, s24  }
0x195: {  	s18 =	simm.s32 $0x9400;
	s16 =	simm.s32 $0x1400;
	p0 =	sne.s32 s24, s26  }
.Ltmp2:
0x196: {  	s19 =	simm.s32 $0xA400;
	s20 =	simm.s32 $0xAC00;
	(pc) =	sbr.rel @p0 .LBB2_1-.Ltmp2, $4  }
0x197: {  	s29 =	simm.s32 $0xB400;
	s21 =	simm.s32 $0xC400;
	s22 =	simm.s32 $0xCC00  }
0x198: {  	s3 =	simm.s32 $0x6400;
	s17 =	simm.s32 $0x9C00;
	s11 =	simm.s32 $0x7400  }
0x199: {  	s28 =	simm.s32 $0xBC00;
	s5 =	simm.s32 $0x6C00;
	[sflag:s12] =	ssyncset.done $0x0  }
0x19a: {  	[sflag:s12] =	ssyncadd.s32 $0xFFFF4000;
	s12 =	simm.s32 $0x7C00;
	s26 =	simm.s32 $0xD400  }
0x19b: {  	_ =	sfence.sel $0x180000  }
0x19c: {  	[bflag:$0x0] =	sbarrier.arrive $0xFFFF  }
0x19d: {  	_ =	strace $0x90000047  }
0x19e: {  	s0 =	stileid.u32;
	[bflag:$0x2] =	sbarrier.arrive $0xFFFF  }
0x19f: {  	p0 =	sne.s32 s0, $0x0;
	s0 =	rddreg [dreg:$0x3]  }
0x1a0: {  	s0 =	sadd.s32 @!p0 $0x100000, s0  }
0x1a1: {  	[sflag:s0] =	ssyncadd.tile.s32 @!p0 $0x1;
	_ =	shalt  }
.Lfunc_end2:
_tile_overlayer_lowered:
.L_overlay_start_2:
0x1a2: {  	(tag) =	ssettag $0x2  }
0x1a3: {  	s0 =	rddreg [dreg:$0x0];
	s2 =	stileid.u32  }
0x1a4: {  	s1 =	rddreg [dreg:$0x1];
	p0 =	sne.s32 s2, $0x0  }
0x1a5: {  	s3 =	rddreg [dreg:$0x2];
	[bflag:$0x3] =	sbarrier.arrive $0xFFFF;
	s2 =	simm.s32 @!p0 $0x1C05  }
0x1a6: {  	[timem:s3], [sflag:s2] =	dma.local @!p0 [hbm:s0], s1  }
0x1a7: {  	s0 =	simm.s32 @!p0 $0x5  }
0x1a8: {  	_ =	swait.ge @!p0 [sflag:s0], s1  }
0x1a9: {  	s1 =	ssub.s32 @!p0 $0x0, s1;
	[sflag:s0] =	ssyncset.done @!p0 $0x0  }
0x1aa: {  	[sflag:s0] =	ssyncadd.s32 @!p0 s1  }
0x1ab: {  	[bflag:$0x3] =	sbarrier.arrive $0xFFFF  }
0x1ac: {  	_ =	shalt  }

</sc_bundles>
